<compile_context>
chip_gen: v7x
topology: tpu7x:2x2x1
jax: 0.10.2.dev20260603
libtpu: 0.0.44.dev20260713+nightly
codegen_flags: <defaults>
</compile_context>

<pallas_src>
import functools

import jax
import jax.numpy as jnp
from jax import lax
from jax.experimental import pallas as pl
from jax.experimental.pallas import tpu as pltpu
from jax.experimental.pallas import tpu_sc as plsc

N_NODES = 10000
N_EDGES = 320000
NC, NS = 2, 16
NW = NC * NS
EPW = N_EDGES // NW
CHUNK = 125
NITER = EPW // CHUNK
QUAD = 4
NQD = NITER // QUAD
PAIR = 2
NPAD = 10240
RPT = NPAD // NS
BR = 2000


def _sc_degrees(gr, ones_c, zeros_r):
    mesh = plsc.VectorSubcoreMesh(core_axis_name="c", subcore_axis_name="s")

    @functools.partial(
        pl.kernel,
        out_type=jax.ShapeDtypeStruct((NC, 2, NPAD), jnp.float32),
        mesh=mesh,
        compiler_params=pltpu.CompilerParams(use_tc_tiling_on_sc=False),
        scratch_types=[
            pltpu.VMEM((NITER, CHUNK), jnp.int32),
            pltpu.VMEM((NITER, CHUNK), jnp.int32),
            pltpu.VMEM((CHUNK,), jnp.float32),
            pltpu.VMEM_SHARED((NPAD,), jnp.float32),
            pltpu.VMEM_SHARED((NPAD,), jnp.float32),
        ] + [pltpu.SemaphoreType.DMA] * (2 * QUAD),
    )
    def deg_kernel(g_hbm, ones_hbm, zeros_hbm, out_hbm,
                   sidx, didx, ones_v, cs, cd, *sems):
        cid = lax.axis_index("c")
        sid = lax.axis_index("s")
        wid = sid * NC + cid
        pltpu.sync_copy(ones_hbm, ones_v)
        pltpu.sync_copy(g_hbm.at[0, wid], sidx)
        pltpu.sync_copy(g_hbm.at[1, wid], didx)
        pltpu.sync_copy(zeros_hbm, cs.at[pl.ds(sid * RPT, RPT)])
        pltpu.sync_copy(zeros_hbm, cd.at[pl.ds(sid * RPT, RPT)])
        plsc.subcore_barrier()

        def body(q, _):
            descs = []
            for k in range(QUAD):
                i = q * QUAD + k
                descs.append(pltpu.async_copy(
                    ones_v, cs.at[sidx.at[i]], sems[k], add=True))
                descs.append(pltpu.async_copy(
                    ones_v, cd.at[didx.at[i]], sems[QUAD + k], add=True))
            for de in descs:
                de.wait()
            return ()

        lax.fori_loop(0, NQD, body, ())
        plsc.subcore_barrier()
        pltpu.sync_copy(cs.at[pl.ds(sid * RPT, RPT)],
                        out_hbm.at[cid, 0, pl.ds(sid * RPT, RPT)])
        pltpu.sync_copy(cd.at[pl.ds(sid * RPT, RPT)],
                        out_hbm.at[cid, 1, pl.ds(sid * RPT, RPT)])

    return deg_kernel(gr, ones_c, zeros_r)


def _sc_aggregate(h, gr, zeros_rows, d, linear_tiling=False):
    mesh = plsc.VectorSubcoreMesh(core_axis_name="c", subcore_axis_name="s")
    params = (pltpu.CompilerParams(use_tc_tiling_on_sc=False)
              if linear_tiling else None)

    @functools.partial(
        pl.kernel,
        out_type=jax.ShapeDtypeStruct((NC, NPAD, d), jnp.float32),
        mesh=mesh,
        compiler_params=params,
        scratch_types=[
            pltpu.VMEM((PAIR, CHUNK), jnp.int32),
            pltpu.VMEM((PAIR, CHUNK), jnp.int32),
            pltpu.VMEM((PAIR, CHUNK, d), jnp.float32),
            pltpu.VMEM_SHARED((NPAD, d), jnp.float32),
            pltpu.SemaphoreType.DMA((PAIR,)),
            pltpu.SemaphoreType.DMA((PAIR,)),
            pltpu.SemaphoreType.DMA,
            pltpu.SemaphoreType.DMA,
        ],
    )
    def agg_kernel(h_hbm, g_hbm, zeros_hbm, out_hbm,
                   sidx, didx, rows, acc, gsem, ssem, isem_s, isem_d):
        cid = lax.axis_index("c")
        sid = lax.axis_index("s")
        wid = sid * NC + cid
        pltpu.sync_copy(zeros_hbm, acc.at[pl.ds(sid * RPT, RPT)])
        plsc.subcore_barrier()

        def gather(i, b):
            return pltpu.async_copy(
                h_hbm.at[sidx.at[b]], rows.at[b], gsem.at[b])

        def scatter(b):
            return pltpu.async_copy(
                rows.at[b], acc.at[didx.at[b]], ssem.at[b], add=True)

        def load_idx(i, b):
            pltpu.async_copy(g_hbm.at[0, wid, i], sidx.at[b], isem_s)
            pltpu.async_copy(g_hbm.at[1, wid, i], didx.at[b], isem_d)

        def wait_idx(b):
            pltpu.make_async_copy(g_hbm.at[0, wid, 0], sidx.at[b],
                                  isem_s).wait()
            pltpu.make_async_copy(g_hbm.at[1, wid, 0], didx.at[b],
                                  isem_d).wait()

        pltpu.sync_copy(g_hbm.at[0, wid, 0], sidx.at[0])
        pltpu.sync_copy(g_hbm.at[1, wid, 0], didx.at[0])
        gather(0, 0)

        def body(i, _):
            b = i % PAIR
            nb = (i + 1) % PAIR

            @pl.when(i >= PAIR - 1)
            def _():
                pltpu.make_async_copy(rows.at[nb], acc.at[didx.at[nb]],
                                      ssem.at[nb]).wait()

            @pl.when(i + 1 < NITER)
            def _():
                load_idx(i + 1, nb)

            pltpu.make_async_copy(h_hbm.at[sidx.at[b]], rows.at[b],
                                  gsem.at[b]).wait()
            scatter(b)

            @pl.when(i + 1 < NITER)
            def _():
                wait_idx(nb)
                gather(i + 1, nb)

            return ()

        lax.fori_loop(0, NITER, body, ())
        for j in range(NITER - PAIR + 1, NITER):
            pltpu.make_async_copy(rows.at[j % PAIR],
                                  acc.at[didx.at[j % PAIR]],
                                  ssem.at[j % PAIR]).wait()
        plsc.subcore_barrier()
        pltpu.sync_copy(acc.at[pl.ds(sid * RPT, RPT)],
                        out_hbm.at[cid, pl.ds(sid * RPT, RPT)])

    return agg_kernel(h, gr, zeros_rows)


def _norm_src(c):
    return lax.rsqrt(jnp.maximum(c[:, 0:1] + c[:, 2:3], 1.0))


def _norm_dst(c):
    return lax.rsqrt(jnp.maximum(c[:, 1:2] + c[:, 3:4], 1.0))


def _tc_linear1(x, cnt, w):
    d_in, d_out = w.shape

    def body(x_ref, c_ref, w_ref, o_ref):
        ns = _norm_src(c_ref[...])
        o_ref[...] = jnp.dot(x_ref[...] * ns, w_ref[...],
                             preferred_element_type=jnp.float32)

    return pl.pallas_call(
        body,
        grid=(N_NODES // BR,),
        in_specs=[
            pl.BlockSpec((BR, d_in), lambda i: (i, 0)),
            pl.BlockSpec((BR, 4), lambda i: (i, 0)),
            pl.BlockSpec((d_in, d_out), lambda i: (0, 0)),
        ],
        out_specs=pl.BlockSpec((BR, d_out), lambda i: (i, 0)),
        out_shape=jax.ShapeDtypeStruct((N_NODES, d_out), jnp.float32),
    )(x, cnt, w)


def _tc_mid(p, cnt, b1, w2):
    d_in, d_out = w2.shape

    def body(p_ref, c_ref, b_ref, w_ref, o_ref):
        c = c_ref[...]
        x = (p_ref[0] + p_ref[1]) * _norm_dst(c) + b_ref[...]
        x = jnp.maximum(x, 0.0)
        o_ref[...] = jnp.dot(x * _norm_src(c), w_ref[...],
                             preferred_element_type=jnp.float32)

    return pl.pallas_call(
        body,
        grid=(N_NODES // BR,),
        in_specs=[
            pl.BlockSpec((NC, BR, d_in), lambda i: (0, i, 0)),
            pl.BlockSpec((BR, 4), lambda i: (i, 0)),
            pl.BlockSpec((1, d_in), lambda i: (0, 0)),
            pl.BlockSpec((d_in, d_out), lambda i: (0, 0)),
        ],
        out_specs=pl.BlockSpec((BR, d_out), lambda i: (i, 0)),
        out_shape=jax.ShapeDtypeStruct((N_NODES, d_out), jnp.float32),
    )(p, cnt, b1, w2)


def _tc_out(q, cnt, b2, d_out):
    d = q.shape[-1]

    def body(q_ref, c_ref, b_ref, o_ref):
        t = (q_ref[0] + q_ref[1]) * _norm_dst(c_ref[...])
        o_ref[...] = t[:, :d_out] + b_ref[...]

    return pl.pallas_call(
        body,
        grid=(N_NODES // BR,),
        in_specs=[
            pl.BlockSpec((NC, BR, d), lambda i: (0, i, 0)),
            pl.BlockSpec((BR, 4), lambda i: (i, 0)),
            pl.BlockSpec((1, d_out), lambda i: (0, 0)),
        ],
        out_specs=pl.BlockSpec((BR, d_out), lambda i: (i, 0)),
        out_shape=jax.ShapeDtypeStruct((N_NODES, d_out), jnp.float32),
    )(q, cnt, b2)


def kernel(g, features, W1, b1, W2, b2):
    gr = g.reshape(2, NW, NITER, CHUNK)
    nhid = W1.shape[1]
    nlabel = W2.shape[1]

    ones_c = jnp.ones((CHUNK,), jnp.float32)
    zeros_r = jnp.zeros((RPT,), jnp.float32)
    zeros_h = jnp.zeros((RPT, nhid), jnp.float32)
    zeros_o = jnp.zeros((RPT, nlabel), jnp.float32)

    counts = _sc_degrees(gr, ones_c, zeros_r)
    cnt = counts.reshape(4, NPAD).T

    h1 = _tc_linear1(features, cnt, W1)
    p = _sc_aggregate(h1, gr, zeros_h, nhid, linear_tiling=True)
    h2 = _tc_mid(p, cnt, b1.reshape(1, nhid), W2)
    q = _sc_aggregate(h2, gr, zeros_o, nlabel, linear_tiling=True)
    return _tc_out(q, cnt, b2.reshape(1, nlabel), nlabel)

# --- scband reference (transcript-rebuilt; emitter-appended) ---
"""Pipeline reference for scband-gcn-drop-30202210026006 (READ-ONLY COPY).

The authoritative reference and input builder live on the scoring server;
editing this copy changes nothing except your own understanding.
"""

import jax, jax.numpy as jnp
import numpy as np

N_NODES = 10000
N_EDGES = 320000
D_FEAT = 128
NHID = 128
NLABEL = 64


def setup_inputs(seed: int = 0) -> dict:
    key = jax.random.key(seed)
    k1, k2, k3, k4, k5, k6 = jax.random.split(key, 6)
    features = jax.random.normal(k1, (N_NODES, D_FEAT), dtype=jnp.float32)
    # g: DGL graph represented as an edge list [2, E] (row 0 = src, row 1 = dst)
    g = jax.random.randint(k2, (2, N_EDGES), 0, N_NODES, dtype=jnp.int32)
    # GraphConv gc1: in=D_FEAT, out=NHID (glorot-ish init)
    W1 = jax.random.normal(k3, (D_FEAT, NHID), dtype=jnp.float32) * (1.0 / np.sqrt(D_FEAT))
    b1 = jnp.zeros((NHID,), dtype=jnp.float32)
    # GraphConv gc2: in=NHID, out=NLABEL
    W2 = jax.random.normal(k4, (NHID, NLABEL), dtype=jnp.float32) * (1.0 / np.sqrt(NHID))
    b2 = jnp.zeros((NLABEL,), dtype=jnp.float32)
    return {"g": g, "features": features, "W1": W1, "b1": b1, "W2": W2, "b2": b2}


def _graph_conv(x, src, dst, W, b):
    # DGL GraphConv with norm='both': D_dst^{-1/2} A D_src^{-1/2} X W + b
    deg_out = jnp.clip(jnp.bincount(src, length=N_NODES), 1, None).astype(jnp.float32)
    deg_in = jnp.clip(jnp.bincount(dst, length=N_NODES), 1, None).astype(jnp.float32)
    norm_src = deg_out ** -0.5
    norm_dst = deg_in ** -0.5
    h = x * norm_src[:, None]
    h = h @ W
    msg = jnp.take(h, src, axis=0)
    agg = jax.ops.segment_sum(msg, dst, num_segments=N_NODES)
    return agg * norm_dst[:, None] + b


def reference(g, features, W1, b1, W2, b2):
    src = g[0]
    dst = g[1]
    # eval mode: F.dropout(training=False) is identity
    x = jax.nn.relu(_graph_conv(features, src, dst, W1, b1))
    x = _graph_conv(x, src, dst, W2, b2)
    return x

if __name__ == "__main__":
    import jax
    _d = setup_inputs()
    print(jax.jit(kernel)(*tuple(_d.values())))

</pallas_src>

<mosaic_0001>
#map = affine_map<(d0, d1) -> (0, 0)>
#map1 = affine_map<(d0, d1) -> (0, 0, 0, 0)>
#map2 = affine_map<(d0, d1) -> (0, 0, 0)>
module attributes {stable_mosaic.version = 14 : i64} {
  func.func @agg_kernel(%arg0: i32, %arg1: i32, %arg2: memref<10000x128xf32, #tpu.memory_space<hbm>>, %arg3: memref<2x32x80x125xi32, #tpu.memory_space<hbm>>, %arg4: memref<640x128xf32, #tpu.memory_space<hbm>>, %arg5: memref<2x10240x128xf32, #tpu.memory_space<hbm>>, %arg6: memref<2x125xi32, #tpu.memory_space<vmem>>, %arg7: memref<2x125xi32, #tpu.memory_space<vmem>>, %arg8: memref<2x125x128xf32, #tpu.memory_space<vmem>>, %arg9: memref<10240x128xf32, #tpu.memory_space<vmem_shared>>, %arg10: memref<2x!tpu.dma_semaphore, #tpu.memory_space<semaphore_mem>>, %arg11: memref<2x!tpu.dma_semaphore, #tpu.memory_space<semaphore_mem>>, %arg12: memref<!tpu.dma_semaphore, #tpu.memory_space<semaphore_mem>>, %arg13: memref<!tpu.dma_semaphore, #tpu.memory_space<semaphore_mem>>) attributes {dimension_semantics = [#tpu.dimension_semantics<core_parallel>, #tpu.dimension_semantics<subcore_parallel>], iteration_bounds = array<i64: 2, 16>, scalar_prefetch = 0 : i64, scratch_operands = 8 : i64, tpu.core_type = #tpu.core_type<sc_vector_subcore>, window_params = [{transform_indices = #map}, {transform_indices = #map1}, {transform_indices = #map}, {transform_indices = #map2}]} {
    %mul3A = arith.constant 2 : i32
    %mul3A_0 = arith.muli %arg1, %mul3A : i32
    %add3A = arith.addi %mul3A_0, %arg0 : i32
    %mul3A_1 = arith.constant 640 : i32
    %mul3A_2 = arith.muli %arg1, %mul3A_1 : i32
    "tpu.region"() ({
      %run_scoped3A_45 = tpu.sem_alloc : memref<!tpu.dma_semaphore, #tpu.memory_space<semaphore_mem>>
      %dma_start3A_46 = arith.constant 0 : i32
      %dma_start3A_47 = tpu.memref_slice %arg9[%mul3A_2, %dma_start3A_46] : memref<10240x128xf32, #tpu.memory_space<vmem_shared>> -> memref<640x128xf32, #tpu.memory_space<vmem_shared>>
      tpu.enqueue_dma source(%arg4 : memref<640x128xf32, #tpu.memory_space<hbm>>) target(%dma_start3A_47 : memref<640x128xf32, #tpu.memory_space<vmem_shared>>) target_semaphore(%run_scoped3A_45 : memref<!tpu.dma_semaphore, #tpu.memory_space<semaphore_mem>>)
      %dma_wait3A_48 = arith.constant 0 : i32
      %dma_wait3A_49 = tpu.memref_slice %arg9[%mul3A_2, %dma_wait3A_48] : memref<10240x128xf32, #tpu.memory_space<vmem_shared>> -> memref<640x128xf32, #tpu.memory_space<vmem_shared>>
      tpu.wait_dma2 semaphore(%run_scoped3A_45 : memref<!tpu.dma_semaphore, #tpu.memory_space<semaphore_mem>>) src(%arg4 : memref<640x128xf32, #tpu.memory_space<hbm>>) dst(%dma_wait3A_49 : memref<640x128xf32, #tpu.memory_space<vmem_shared>>)
      tpu.yield
    }) : () -> ()
    %barrier3A = arith.constant 0 : index
    tpu.barrier barrier_id(%barrier3A)
    %run_scoped3A = arith.constant 0 : i32
    %run_scoped3A_3 = arith.constant 0 : i32
    %run_scoped3A_4 = arith.constant 0 : i32
    "tpu.region"() ({
      %run_scoped3A_45 = tpu.sem_alloc : memref<!tpu.dma_semaphore, #tpu.memory_space<semaphore_mem>>
      %dma_start3A_46 = arith.constant 0 : i32
      %dma_start3A_47 = tpu.memref_slice %arg6[%run_scoped3A_4, %dma_start3A_46] : memref<2x125xi32, #tpu.memory_space<vmem>> -> memref<1x125xi32, #tpu.memory_space<vmem>>
      %dma_start3A_48 = tpu.memref_squeeze %dma_start3A_47 : memref<1x125xi32, #tpu.memory_space<vmem>> -> memref<125xi32, #tpu.memory_space<vmem>>
      %dma_start3A_49 = arith.constant 0 : i32
      %dma_start3A_50 = tpu.memref_slice %arg3[%run_scoped3A, %add3A, %run_scoped3A_3, %dma_start3A_49] : memref<2x32x80x125xi32, #tpu.memory_space<hbm>> -> memref<1x1x1x125xi32, #tpu.memory_space<hbm>>
      %dma_start3A_51 = tpu.memref_squeeze %dma_start3A_50 : memref<1x1x1x125xi32, #tpu.memory_space<hbm>> -> memref<125xi32, #tpu.memory_space<hbm>>
      %dma_start3A_52 = arith.constant 0 : i32
      %dma_start3A_53 = tpu.memref_slice %arg6[%run_scoped3A_4, %dma_start3A_52] : memref<2x125xi32, #tpu.memory_space<vmem>> -> memref<1x125xi32, #tpu.memory_space<vmem>>
      %dma_start3A_54 = tpu.memref_squeeze %dma_start3A_53 : memref<1x125xi32, #tpu.memory_space<vmem>> -> memref<125xi32, #tpu.memory_space<vmem>>
      %dma_start3A_55 = arith.constant 0 : i32
      %dma_start3A_56 = tpu.memref_slice %arg3[%run_scoped3A, %add3A, %run_scoped3A_3, %dma_start3A_55] : memref<2x32x80x125xi32, #tpu.memory_space<hbm>> -> memref<1x1x1x125xi32, #tpu.memory_space<hbm>>
      %dma_start3A_57 = tpu.memref_squeeze %dma_start3A_56 : memref<1x1x1x125xi32, #tpu.memory_space<hbm>> -> memref<125xi32, #tpu.memory_space<hbm>>
      tpu.enqueue_dma source(%dma_start3A_57 : memref<125xi32, #tpu.memory_space<hbm>>) target(%dma_start3A_54 : memref<125xi32, #tpu.memory_space<vmem>>) target_semaphore(%run_scoped3A_45 : memref<!tpu.dma_semaphore, #tpu.memory_space<semaphore_mem>>)
      %dma_wait3A_58 = arith.constant 0 : i32
      %dma_wait3A_59 = tpu.memref_slice %arg6[%run_scoped3A_4, %dma_wait3A_58] : memref<2x125xi32, #tpu.memory_space<vmem>> -> memref<1x125xi32, #tpu.memory_space<vmem>>
      %dma_wait3A_60 = tpu.memref_squeeze %dma_wait3A_59 : memref<1x125xi32, #tpu.memory_space<vmem>> -> memref<125xi32, #tpu.memory_space<vmem>>
      %dma_wait3A_61 = arith.constant 0 : i32
      %dma_wait3A_62 = tpu.memref_slice %arg3[%run_scoped3A, %add3A, %run_scoped3A_3, %dma_wait3A_61] : memref<2x32x80x125xi32, #tpu.memory_space<hbm>> -> memref<1x1x1x125xi32, #tpu.memory_space<hbm>>
      %dma_wait3A_63 = tpu.memref_squeeze %dma_wait3A_62 : memref<1x1x1x125xi32, #tpu.memory_space<hbm>> -> memref<125xi32, #tpu.memory_space<hbm>>
      %dma_wait3A_64 = arith.constant 0 : i32
      %dma_wait3A_65 = tpu.memref_slice %arg6[%run_scoped3A_4, %dma_wait3A_64] : memref<2x125xi32, #tpu.memory_space<vmem>> -> memref<1x125xi32, #tpu.memory_space<vmem>>
      %dma_wait3A_66 = tpu.memref_squeeze %dma_wait3A_65 : memref<1x125xi32, #tpu.memory_space<vmem>> -> memref<125xi32, #tpu.memory_space<vmem>>
      %dma_wait3A_67 = arith.constant 0 : i32
      %dma_wait3A_68 = tpu.memref_slice %arg3[%run_scoped3A, %add3A, %run_scoped3A_3, %dma_wait3A_67] : memref<2x32x80x125xi32, #tpu.memory_space<hbm>> -> memref<1x1x1x125xi32, #tpu.memory_space<hbm>>
      %dma_wait3A_69 = tpu.memref_squeeze %dma_wait3A_68 : memref<1x1x1x125xi32, #tpu.memory_space<hbm>> -> memref<125xi32, #tpu.memory_space<hbm>>
      tpu.wait_dma2 semaphore(%run_scoped3A_45 : memref<!tpu.dma_semaphore, #tpu.memory_space<semaphore_mem>>) src(%dma_wait3A_69 : memref<125xi32, #tpu.memory_space<hbm>>) dst(%dma_wait3A_66 : memref<125xi32, #tpu.memory_space<vmem>>)
      tpu.yield
    }) : () -> ()
    %run_scoped3A_5 = arith.constant 1 : i32
    %run_scoped3A_6 = arith.constant 0 : i32
    %run_scoped3A_7 = arith.constant 0 : i32
    "tpu.region"() ({
      %run_scoped3A_45 = tpu.sem_alloc : memref<!tpu.dma_semaphore, #tpu.memory_space<semaphore_mem>>
      %dma_start3A_46 = arith.constant 0 : i32
      %dma_start3A_47 = tpu.memref_slice %arg7[%run_scoped3A_7, %dma_start3A_46] : memref<2x125xi32, #tpu.memory_space<vmem>> -> memref<1x125xi32, #tpu.memory_space<vmem>>
      %dma_start3A_48 = tpu.memref_squeeze %dma_start3A_47 : memref<1x125xi32, #tpu.memory_space<vmem>> -> memref<125xi32, #tpu.memory_space<vmem>>
      %dma_start3A_49 = arith.constant 0 : i32
      %dma_start3A_50 = tpu.memref_slice %arg3[%run_scoped3A_5, %add3A, %run_scoped3A_6, %dma_start3A_49] : memref<2x32x80x125xi32, #tpu.memory_space<hbm>> -> memref<1x1x1x125xi32, #tpu.memory_space<hbm>>
      %dma_start3A_51 = tpu.memref_squeeze %dma_start3A_50 : memref<1x1x1x125xi32, #tpu.memory_space<hbm>> -> memref<125xi32, #tpu.memory_space<hbm>>
      %dma_start3A_52 = arith.constant 0 : i32
      %dma_start3A_53 = tpu.memref_slice %arg7[%run_scoped3A_7, %dma_start3A_52] : memref<2x125xi32, #tpu.memory_space<vmem>> -> memref<1x125xi32, #tpu.memory_space<vmem>>
      %dma_start3A_54 = tpu.memref_squeeze %dma_start3A_53 : memref<1x125xi32, #tpu.memory_space<vmem>> -> memref<125xi32, #tpu.memory_space<vmem>>
      %dma_start3A_55 = arith.constant 0 : i32
      %dma_start3A_56 = tpu.memref_slice %arg3[%run_scoped3A_5, %add3A, %run_scoped3A_6, %dma_start3A_55] : memref<2x32x80x125xi32, #tpu.memory_space<hbm>> -> memref<1x1x1x125xi32, #tpu.memory_space<hbm>>
      %dma_start3A_57 = tpu.memref_squeeze %dma_start3A_56 : memref<1x1x1x125xi32, #tpu.memory_space<hbm>> -> memref<125xi32, #tpu.memory_space<hbm>>
      tpu.enqueue_dma source(%dma_start3A_57 : memref<125xi32, #tpu.memory_space<hbm>>) target(%dma_start3A_54 : memref<125xi32, #tpu.memory_space<vmem>>) target_semaphore(%run_scoped3A_45 : memref<!tpu.dma_semaphore, #tpu.memory_space<semaphore_mem>>)
      %dma_wait3A_58 = arith.constant 0 : i32
      %dma_wait3A_59 = tpu.memref_slice %arg7[%run_scoped3A_7, %dma_wait3A_58] : memref<2x125xi32, #tpu.memory_space<vmem>> -> memref<1x125xi32, #tpu.memory_space<vmem>>
      %dma_wait3A_60 = tpu.memref_squeeze %dma_wait3A_59 : memref<1x125xi32, #tpu.memory_space<vmem>> -> memref<125xi32, #tpu.memory_space<vmem>>
      %dma_wait3A_61 = arith.constant 0 : i32
      %dma_wait3A_62 = tpu.memref_slice %arg3[%run_scoped3A_5, %add3A, %run_scoped3A_6, %dma_wait3A_61] : memref<2x32x80x125xi32, #tpu.memory_space<hbm>> -> memref<1x1x1x125xi32, #tpu.memory_space<hbm>>
      %dma_wait3A_63 = tpu.memref_squeeze %dma_wait3A_62 : memref<1x1x1x125xi32, #tpu.memory_space<hbm>> -> memref<125xi32, #tpu.memory_space<hbm>>
      %dma_wait3A_64 = arith.constant 0 : i32
      %dma_wait3A_65 = tpu.memref_slice %arg7[%run_scoped3A_7, %dma_wait3A_64] : memref<2x125xi32, #tpu.memory_space<vmem>> -> memref<1x125xi32, #tpu.memory_space<vmem>>
      %dma_wait3A_66 = tpu.memref_squeeze %dma_wait3A_65 : memref<1x125xi32, #tpu.memory_space<vmem>> -> memref<125xi32, #tpu.memory_space<vmem>>
      %dma_wait3A_67 = arith.constant 0 : i32
      %dma_wait3A_68 = tpu.memref_slice %arg3[%run_scoped3A_5, %add3A, %run_scoped3A_6, %dma_wait3A_67] : memref<2x32x80x125xi32, #tpu.memory_space<hbm>> -> memref<1x1x1x125xi32, #tpu.memory_space<hbm>>
      %dma_wait3A_69 = tpu.memref_squeeze %dma_wait3A_68 : memref<1x1x1x125xi32, #tpu.memory_space<hbm>> -> memref<125xi32, #tpu.memory_space<hbm>>
      tpu.wait_dma2 semaphore(%run_scoped3A_45 : memref<!tpu.dma_semaphore, #tpu.memory_space<semaphore_mem>>) src(%dma_wait3A_69 : memref<125xi32, #tpu.memory_space<hbm>>) dst(%dma_wait3A_66 : memref<125xi32, #tpu.memory_space<vmem>>)
      tpu.yield
    }) : () -> ()
    %dma_start3A = arith.constant 0 : i32
    %dma_start3A_8 = arith.constant 0 : i32
    %dma_start3A_9 = arith.constant 0 : i32
    %dma_start3A_10 = arith.constant 0 : i32
    %dma_start3A_11 = arith.constant 0 : i32
    %dma_start3A_12 = tpu.memref_slice %arg8[%dma_start3A_8, %dma_start3A_10, %dma_start3A_11] : memref<2x125x128xf32, #tpu.memory_space<vmem>> -> memref<1x125x128xf32, #tpu.memory_space<vmem>>
    %dma_start3A_13 = tpu.memref_squeeze %dma_start3A_12 : memref<1x125x128xf32, #tpu.memory_space<vmem>> -> memref<125x128xf32, #tpu.memory_space<vmem>>
    %dma_start3A_14 = arith.constant 0 : i32
    %dma_start3A_15 = tpu.memref_slice %arg6[%dma_start3A, %dma_start3A_14] : memref<2x125xi32, #tpu.memory_space<vmem>> -> memref<1x125xi32, #tpu.memory_space<vmem>>
    %dma_start3A_16 = tpu.memref_squeeze %dma_start3A_15 : memref<1x125xi32, #tpu.memory_space<vmem>> -> memref<125xi32, #tpu.memory_space<vmem>>
    %dma_start3A_17 = arith.constant 0 : i32
    %dma_start3A_18 = arith.constant 0 : i32
    %dma_start3A_19 = tpu.memref_slice %arg2[%dma_start3A_17, %dma_start3A_18] : memref<10000x128xf32, #tpu.memory_space<hbm>> -> memref<10000x128xf32, #tpu.memory_space<hbm>>
    %dma_start3A_20 = tpu.memref_slice %arg10[%dma_start3A_9] : memref<2x!tpu.dma_semaphore, #tpu.memory_space<semaphore_mem>> -> memref<1x!tpu.dma_semaphore, #tpu.memory_space<semaphore_mem>>
    %dma_start3A_21 = tpu.memref_squeeze %dma_start3A_20 : memref<1x!tpu.dma_semaphore, #tpu.memory_space<semaphore_mem>> -> memref<!tpu.dma_semaphore, #tpu.memory_space<semaphore_mem>>
    tpu.enqueue_indirect_dma source(%dma_start3A_19 : memref<10000x128xf32, #tpu.memory_space<hbm>>) target(%dma_start3A_13 : memref<125x128xf32, #tpu.memory_space<vmem>>) offsets(%dma_start3A_16 : memref<125xi32, #tpu.memory_space<vmem>>) semaphore(%dma_start3A_21 : memref<!tpu.dma_semaphore, #tpu.memory_space<semaphore_mem>>)
    %scan3A = arith.constant 0 : i32
    %scan3A_22 = arith.constant 80 : i32
    %scan3A_23 = arith.addi %scan3A, %scan3A_22 : i32
    %scan3A_24 = arith.constant 1 : i32
    scf.for %scan3A_45 = %scan3A to %scan3A_23 step %scan3A_24  : i32 {
      %jit3A = arith.constant 2 : i32
      %eq3A = arith.constant 0 : i32
      %eq3A_46 = arith.cmpi eq, %jit3A, %eq3A : i32
      %jit3A_47 = arith.constant 1 : i32
      %select_n3A = arith.select %eq3A_46, %jit3A_47, %jit3A : i32
      %rem3A = arith.remsi %scan3A_45, %select_n3A : i32
      %ne3A = arith.constant 0 : i32
      %ne3A_48 = arith.cmpi ne, %rem3A, %ne3A : i32
      %lt3A = arith.constant 0 : i32
      %lt3A_49 = arith.cmpi slt, %rem3A, %lt3A : i32
      %lt3A_50 = arith.constant 0 : i32
      %lt3A_51 = arith.cmpi slt, %select_n3A, %lt3A_50 : i32
      %ne3A_52 = arith.xori %lt3A_49, %lt3A_51 : i1
      %and3A = arith.andi %ne3A_52, %ne3A_48 : i1
      %add3A_53 = arith.addi %rem3A, %select_n3A : i32
      %select_n3A_54 = arith.select %and3A, %add3A_53, %rem3A : i32
      %add3A_55 = arith.constant 1 : i32
      %add3A_56 = arith.addi %scan3A_45, %add3A_55 : i32
      %jit3A_57 = arith.constant 2 : i32
      %eq3A_58 = arith.constant 0 : i32
      %eq3A_59 = arith.cmpi eq, %jit3A_57, %eq3A_58 : i32
      %jit3A_60 = arith.constant 1 : i32
      %select_n3A_61 = arith.select %eq3A_59, %jit3A_60, %jit3A_57 : i32
      %rem3A_62 = arith.remsi %add3A_56, %select_n3A_61 : i32
      %ne3A_63 = arith.constant 0 : i32
      %ne3A_64 = arith.cmpi ne, %rem3A_62, %ne3A_63 : i32
      %lt3A_65 = arith.constant 0 : i32
      %lt3A_66 = arith.cmpi slt, %rem3A_62, %lt3A_65 : i32
      %lt3A_67 = arith.constant 0 : i32
      %lt3A_68 = arith.cmpi slt, %select_n3A_61, %lt3A_67 : i32
      %ne3A_69 = arith.xori %lt3A_66, %lt3A_68 : i1
      %and3A_70 = arith.andi %ne3A_69, %ne3A_64 : i1
      %add3A_71 = arith.addi %rem3A_62, %select_n3A_61 : i32
      %select_n3A_72 = arith.select %and3A_70, %add3A_71, %rem3A_62 : i32
      %ge3A = arith.constant 1 : i32
      %ge3A_73 = arith.cmpi sge, %scan3A_45, %ge3A : i32
      %convert_element_type3A = arith.extui %ge3A_73 : i1 to i32
      %cond3A = arith.constant 0 : i32
      %cond3A_74 = arith.cmpi ne, %convert_element_type3A, %cond3A : i32
      scf.if %cond3A_74 {
        %dma_wait3A_113 = arith.constant 0 : i32
        %dma_wait3A_114 = arith.constant 0 : i32
        %dma_wait3A_115 = tpu.memref_slice %arg8[%select_n3A_72, %dma_wait3A_113, %dma_wait3A_114] : memref<2x125x128xf32, #tpu.memory_space<vmem>> -> memref<1x125x128xf32, #tpu.memory_space<vmem>>
        %dma_wait3A_116 = tpu.memref_squeeze %dma_wait3A_115 : memref<1x125x128xf32, #tpu.memory_space<vmem>> -> memref<125x128xf32, #tpu.memory_space<vmem>>
        %dma_wait3A_117 = arith.constant 0 : i32
        %dma_wait3A_118 = tpu.memref_slice %arg7[%select_n3A_72, %dma_wait3A_117] : memref<2x125xi32, #tpu.memory_space<vmem>> -> memref<1x125xi32, #tpu.memory_space<vmem>>
        %dma_wait3A_119 = tpu.memref_squeeze %dma_wait3A_118 : memref<1x125xi32, #tpu.memory_space<vmem>> -> memref<125xi32, #tpu.memory_space<vmem>>
        %dma_wait3A_120 = arith.constant 0 : i32
        %dma_wait3A_121 = arith.constant 0 : i32
        %dma_wait3A_122 = tpu.memref_slice %arg9[%dma_wait3A_120, %dma_wait3A_121] : memref<10240x128xf32, #tpu.memory_space<vmem_shared>> -> memref<10240x128xf32, #tpu.memory_space<vmem_shared>>
        %dma_wait3A_123 = tpu.memref_slice %arg11[%select_n3A_72] : memref<2x!tpu.dma_semaphore, #tpu.memory_space<semaphore_mem>> -> memref<1x!tpu.dma_semaphore, #tpu.memory_space<semaphore_mem>>
        %dma_wait3A_124 = tpu.memref_squeeze %dma_wait3A_123 : memref<1x!tpu.dma_semaphore, #tpu.memory_space<semaphore_mem>> -> memref<!tpu.dma_semaphore, #tpu.memory_space<semaphore_mem>>
        tpu.wait_indirect_dma semaphore(%dma_wait3A_124 : memref<!tpu.dma_semaphore, #tpu.memory_space<semaphore_mem>>) src(%dma_wait3A_116 : memref<125x128xf32, #tpu.memory_space<vmem>>) dst(%dma_wait3A_122 : memref<10240x128xf32, #tpu.memory_space<vmem_shared>>)
      } else {
      }
      %add3A_75 = arith.constant 1 : i32
      %add3A_76 = arith.addi %scan3A_45, %add3A_75 : i32
      %lt3A_77 = arith.constant 80 : i32
      %lt3A_78 = arith.cmpi slt, %add3A_76, %lt3A_77 : i32
      %convert_element_type3A_79 = arith.extui %lt3A_78 : i1 to i32
      %cond3A_80 = arith.constant 0 : i32
      %cond3A_81 = arith.cmpi ne, %convert_element_type3A_79, %cond3A_80 : i32
      scf.if %cond3A_81 {
        %add3A_113 = arith.constant 1 : i32
        %add3A_114 = arith.addi %scan3A_45, %add3A_113 : i32
        %dma_start3A_115 = arith.constant 0 : i32
        %dma_start3A_116 = arith.constant 0 : i32
        %dma_start3A_117 = tpu.memref_slice %arg6[%select_n3A_72, %dma_start3A_116] : memref<2x125xi32, #tpu.memory_space<vmem>> -> memref<1x125xi32, #tpu.memory_space<vmem>>
        %dma_start3A_118 = tpu.memref_squeeze %dma_start3A_117 : memref<1x125xi32, #tpu.memory_space<vmem>> -> memref<125xi32, #tpu.memory_space<vmem>>
        %dma_start3A_119 = arith.constant 0 : i32
        %dma_start3A_120 = tpu.memref_slice %arg3[%dma_start3A_115, %add3A, %add3A_114, %dma_start3A_119] : memref<2x32x80x125xi32, #tpu.memory_space<hbm>> -> memref<1x1x1x125xi32, #tpu.memory_space<hbm>>
        %dma_start3A_121 = tpu.memref_squeeze %dma_start3A_120 : memref<1x1x1x125xi32, #tpu.memory_space<hbm>> -> memref<125xi32, #tpu.memory_space<hbm>>
        %dma_start3A_122 = arith.constant 0 : i32
        %dma_start3A_123 = tpu.memref_slice %arg6[%select_n3A_72, %dma_start3A_122] : memref<2x125xi32, #tpu.memory_space<vmem>> -> memref<1x125xi32, #tpu.memory_space<vmem>>
        %dma_start3A_124 = tpu.memref_squeeze %dma_start3A_123 : memref<1x125xi32, #tpu.memory_space<vmem>> -> memref<125xi32, #tpu.memory_space<vmem>>
        %dma_start3A_125 = arith.constant 0 : i32
        %dma_start3A_126 = tpu.memref_slice %arg3[%dma_start3A_115, %add3A, %add3A_114, %dma_start3A_125] : memref<2x32x80x125xi32, #tpu.memory_space<hbm>> -> memref<1x1x1x125xi32, #tpu.memory_space<hbm>>
        %dma_start3A_127 = tpu.memref_squeeze %dma_start3A_126 : memref<1x1x1x125xi32, #tpu.memory_space<hbm>> -> memref<125xi32, #tpu.memory_space<hbm>>
        tpu.enqueue_dma source(%dma_start3A_127 : memref<125xi32, #tpu.memory_space<hbm>>) target(%dma_start3A_124 : memref<125xi32, #tpu.memory_space<vmem>>) target_semaphore(%arg12 : memref<!tpu.dma_semaphore, #tpu.memory_space<semaphore_mem>>)
        %dma_start3A_128 = arith.constant 1 : i32
        %dma_start3A_129 = arith.constant 0 : i32
        %dma_start3A_130 = tpu.memref_slice %arg7[%select_n3A_72, %dma_start3A_129] : memref<2x125xi32, #tpu.memory_space<vmem>> -> memref<1x125xi32, #tpu.memory_space<vmem>>
        %dma_start3A_131 = tpu.memref_squeeze %dma_start3A_130 : memref<1x125xi32, #tpu.memory_space<vmem>> -> memref<125xi32, #tpu.memory_space<vmem>>
        %dma_start3A_132 = arith.constant 0 : i32
        %dma_start3A_133 = tpu.memref_slice %arg3[%dma_start3A_128, %add3A, %add3A_114, %dma_start3A_132] : memref<2x32x80x125xi32, #tpu.memory_space<hbm>> -> memref<1x1x1x125xi32, #tpu.memory_space<hbm>>
        %dma_start3A_134 = tpu.memref_squeeze %dma_start3A_133 : memref<1x1x1x125xi32, #tpu.memory_space<hbm>> -> memref<125xi32, #tpu.memory_space<hbm>>
        %dma_start3A_135 = arith.constant 0 : i32
        %dma_start3A_136 = tpu.memref_slice %arg7[%select_n3A_72, %dma_start3A_135] : memref<2x125xi32, #tpu.memory_space<vmem>> -> memref<1x125xi32, #tpu.memory_space<vmem>>
        %dma_start3A_137 = tpu.memref_squeeze %dma_start3A_136 : memref<1x125xi32, #tpu.memory_space<vmem>> -> memref<125xi32, #tpu.memory_space<vmem>>
        %dma_start3A_138 = arith.constant 0 : i32
        %dma_start3A_139 = tpu.memref_slice %arg3[%dma_start3A_128, %add3A, %add3A_114, %dma_start3A_138] : memref<2x32x80x125xi32, #tpu.memory_space<hbm>> -> memref<1x1x1x125xi32, #tpu.memory_space<hbm>>
        %dma_start3A_140 = tpu.memref_squeeze %dma_start3A_139 : memref<1x1x1x125xi32, #tpu.memory_space<hbm>> -> memref<125xi32, #tpu.memory_space<hbm>>
        tpu.enqueue_dma source(%dma_start3A_140 : memref<125xi32, #tpu.memory_space<hbm>>) target(%dma_start3A_137 : memref<125xi32, #tpu.memory_space<vmem>>) target_semaphore(%arg13 : memref<!tpu.dma_semaphore, #tpu.memory_space<semaphore_mem>>)
      } else {
      }
      %dma_wait3A_82 = arith.constant 0 : i32
      %dma_wait3A_83 = arith.constant 0 : i32
      %dma_wait3A_84 = tpu.memref_slice %arg8[%select_n3A_54, %dma_wait3A_82, %dma_wait3A_83] : memref<2x125x128xf32, #tpu.memory_space<vmem>> -> memref<1x125x128xf32, #tpu.memory_space<vmem>>
      %dma_wait3A_85 = tpu.memref_squeeze %dma_wait3A_84 : memref<1x125x128xf32, #tpu.memory_space<vmem>> -> memref<125x128xf32, #tpu.memory_space<vmem>>
      %dma_wait3A_86 = arith.constant 0 : i32
      %dma_wait3A_87 = tpu.memref_slice %arg6[%select_n3A_54, %dma_wait3A_86] : memref<2x125xi32, #tpu.memory_space<vmem>> -> memref<1x125xi32, #tpu.memory_space<vmem>>
      %dma_wait3A_88 = tpu.memref_squeeze %dma_wait3A_87 : memref<1x125xi32, #tpu.memory_space<vmem>> -> memref<125xi32, #tpu.memory_space<vmem>>
      %dma_wait3A_89 = arith.constant 0 : i32
      %dma_wait3A_90 = arith.constant 0 : i32
      %dma_wait3A_91 = tpu.memref_slice %arg2[%dma_wait3A_89, %dma_wait3A_90] : memref<10000x128xf32, #tpu.memory_space<hbm>> -> memref<10000x128xf32, #tpu.memory_space<hbm>>
      %dma_wait3A_92 = tpu.memref_slice %arg10[%select_n3A_54] : memref<2x!tpu.dma_semaphore, #tpu.memory_space<semaphore_mem>> -> memref<1x!tpu.dma_semaphore, #tpu.memory_space<semaphore_mem>>
      %dma_wait3A_93 = tpu.memref_squeeze %dma_wait3A_92 : memref<1x!tpu.dma_semaphore, #tpu.memory_space<semaphore_mem>> -> memref<!tpu.dma_semaphore, #tpu.memory_space<semaphore_mem>>
      tpu.wait_indirect_dma semaphore(%dma_wait3A_93 : memref<!tpu.dma_semaphore, #tpu.memory_space<semaphore_mem>>) src(%dma_wait3A_91 : memref<10000x128xf32, #tpu.memory_space<hbm>>) dst(%dma_wait3A_85 : memref<125x128xf32, #tpu.memory_space<vmem>>)
      %dma_start3A_94 = arith.constant 0 : i32
      %dma_start3A_95 = arith.constant 0 : i32
      %dma_start3A_96 = tpu.memref_slice %arg8[%select_n3A_54, %dma_start3A_94, %dma_start3A_95] : memref<2x125x128xf32, #tpu.memory_space<vmem>> -> memref<1x125x128xf32, #tpu.memory_space<vmem>>
      %dma_start3A_97 = tpu.memref_squeeze %dma_start3A_96 : memref<1x125x128xf32, #tpu.memory_space<vmem>> -> memref<125x128xf32, #tpu.memory_space<vmem>>
      %dma_start3A_98 = arith.constant 0 : i32
      %dma_start3A_99 = tpu.memref_slice %arg7[%select_n3A_54, %dma_start3A_98] : memref<2x125xi32, #tpu.memory_space<vmem>> -> memref<1x125xi32, #tpu.memory_space<vmem>>
      %dma_start3A_100 = tpu.memref_squeeze %dma_start3A_99 : memref<1x125xi32, #tpu.memory_space<vmem>> -> memref<125xi32, #tpu.memory_space<vmem>>
      %dma_start3A_101 = arith.constant 0 : i32
      %dma_start3A_102 = arith.constant 0 : i32
      %dma_start3A_103 = tpu.memref_slice %arg9[%dma_start3A_101, %dma_start3A_102] : memref<10240x128xf32, #tpu.memory_space<vmem_shared>> -> memref<10240x128xf32, #tpu.memory_space<vmem_shared>>
      %dma_start3A_104 = tpu.memref_slice %arg11[%select_n3A_54] : memref<2x!tpu.dma_semaphore, #tpu.memory_space<semaphore_mem>> -> memref<1x!tpu.dma_semaphore, #tpu.memory_space<semaphore_mem>>
      %dma_start3A_105 = tpu.memref_squeeze %dma_start3A_104 : memref<1x!tpu.dma_semaphore, #tpu.memory_space<semaphore_mem>> -> memref<!tpu.dma_semaphore, #tpu.memory_space<semaphore_mem>>
      tpu.enqueue_indirect_dma source(%dma_start3A_97 : memref<125x128xf32, #tpu.memory_space<vmem>>) target(%dma_start3A_103 : memref<10240x128xf32, #tpu.memory_space<vmem_shared>>) offsets(%dma_start3A_100 : memref<125xi32, #tpu.memory_space<vmem>>) semaphore(%dma_start3A_105 : memref<!tpu.dma_semaphore, #tpu.memory_space<semaphore_mem>>) {add = true}
      %add3A_106 = arith.constant 1 : i32
      %add3A_107 = arith.addi %scan3A_45, %add3A_106 : i32
      %lt3A_108 = arith.constant 80 : i32
      %lt3A_109 = arith.cmpi slt, %add3A_107, %lt3A_108 : i32
      %convert_element_type3A_110 = arith.extui %lt3A_109 : i1 to i32
      %cond3A_111 = arith.constant 0 : i32
      %cond3A_112 = arith.cmpi ne, %convert_element_type3A_110, %cond3A_111 : i32
      scf.if %cond3A_112 {
        %dma_wait3A_113 = arith.constant 0 : i32
        %dma_wait3A_114 = arith.constant 0 : i32
        %dma_wait3A_115 = arith.constant 0 : i32
        %dma_wait3A_116 = tpu.memref_slice %arg6[%select_n3A_72, %dma_wait3A_115] : memref<2x125xi32, #tpu.memory_space<vmem>> -> memref<1x125xi32, #tpu.memory_space<vmem>>
        %dma_wait3A_117 = tpu.memref_squeeze %dma_wait3A_116 : memref<1x125xi32, #tpu.memory_space<vmem>> -> memref<125xi32, #tpu.memory_space<vmem>>
        %dma_wait3A_118 = arith.constant 0 : i32
        %dma_wait3A_119 = tpu.memref_slice %arg3[%dma_wait3A_113, %add3A, %dma_wait3A_114, %dma_wait3A_118] : memref<2x32x80x125xi32, #tpu.memory_space<hbm>> -> memref<1x1x1x125xi32, #tpu.memory_space<hbm>>
        %dma_wait3A_120 = tpu.memref_squeeze %dma_wait3A_119 : memref<1x1x1x125xi32, #tpu.memory_space<hbm>> -> memref<125xi32, #tpu.memory_space<hbm>>
        %dma_wait3A_121 = arith.constant 0 : i32
        %dma_wait3A_122 = tpu.memref_slice %arg6[%select_n3A_72, %dma_wait3A_121] : memref<2x125xi32, #tpu.memory_space<vmem>> -> memref<1x125xi32, #tpu.memory_space<vmem>>
        %dma_wait3A_123 = tpu.memref_squeeze %dma_wait3A_122 : memref<1x125xi32, #tpu.memory_space<vmem>> -> memref<125xi32, #tpu.memory_space<vmem>>
        %dma_wait3A_124 = arith.constant 0 : i32
        %dma_wait3A_125 = tpu.memref_slice %arg3[%dma_wait3A_113, %add3A, %dma_wait3A_114, %dma_wait3A_124] : memref<2x32x80x125xi32, #tpu.memory_space<hbm>> -> memref<1x1x1x125xi32, #tpu.memory_space<hbm>>
        %dma_wait3A_126 = tpu.memref_squeeze %dma_wait3A_125 : memref<1x1x1x125xi32, #tpu.memory_space<hbm>> -> memref<125xi32, #tpu.memory_space<hbm>>
        tpu.wait_dma2 semaphore(%arg12 : memref<!tpu.dma_semaphore, #tpu.memory_space<semaphore_mem>>) src(%dma_wait3A_126 : memref<125xi32, #tpu.memory_space<hbm>>) dst(%dma_wait3A_123 : memref<125xi32, #tpu.memory_space<vmem>>)
        %dma_wait3A_127 = arith.constant 1 : i32
        %dma_wait3A_128 = arith.constant 0 : i32
        %dma_wait3A_129 = arith.constant 0 : i32
        %dma_wait3A_130 = tpu.memref_slice %arg7[%select_n3A_72, %dma_wait3A_129] : memref<2x125xi32, #tpu.memory_space<vmem>> -> memref<1x125xi32, #tpu.memory_space<vmem>>
        %dma_wait3A_131 = tpu.memref_squeeze %dma_wait3A_130 : memref<1x125xi32, #tpu.memory_space<vmem>> -> memref<125xi32, #tpu.memory_space<vmem>>
        %dma_wait3A_132 = arith.constant 0 : i32
        %dma_wait3A_133 = tpu.memref_slice %arg3[%dma_wait3A_127, %add3A, %dma_wait3A_128, %dma_wait3A_132] : memref<2x32x80x125xi32, #tpu.memory_space<hbm>> -> memref<1x1x1x125xi32, #tpu.memory_space<hbm>>
        %dma_wait3A_134 = tpu.memref_squeeze %dma_wait3A_133 : memref<1x1x1x125xi32, #tpu.memory_space<hbm>> -> memref<125xi32, #tpu.memory_space<hbm>>
        %dma_wait3A_135 = arith.constant 0 : i32
        %dma_wait3A_136 = tpu.memref_slice %arg7[%select_n3A_72, %dma_wait3A_135] : memref<2x125xi32, #tpu.memory_space<vmem>> -> memref<1x125xi32, #tpu.memory_space<vmem>>
        %dma_wait3A_137 = tpu.memref_squeeze %dma_wait3A_136 : memref<1x125xi32, #tpu.memory_space<vmem>> -> memref<125xi32, #tpu.memory_space<vmem>>
        %dma_wait3A_138 = arith.constant 0 : i32
        %dma_wait3A_139 = tpu.memref_slice %arg3[%dma_wait3A_127, %add3A, %dma_wait3A_128, %dma_wait3A_138] : memref<2x32x80x125xi32, #tpu.memory_space<hbm>> -> memref<1x1x1x125xi32, #tpu.memory_space<hbm>>
        %dma_wait3A_140 = tpu.memref_squeeze %dma_wait3A_139 : memref<1x1x1x125xi32, #tpu.memory_space<hbm>> -> memref<125xi32, #tpu.memory_space<hbm>>
        tpu.wait_dma2 semaphore(%arg13 : memref<!tpu.dma_semaphore, #tpu.memory_space<semaphore_mem>>) src(%dma_wait3A_140 : memref<125xi32, #tpu.memory_space<hbm>>) dst(%dma_wait3A_137 : memref<125xi32, #tpu.memory_space<vmem>>)
        %add3A_141 = arith.constant 1 : i32
        %add3A_142 = arith.addi %scan3A_45, %add3A_141 : i32
        %dma_start3A_143 = arith.constant 0 : i32
        %dma_start3A_144 = arith.constant 0 : i32
        %dma_start3A_145 = tpu.memref_slice %arg8[%select_n3A_72, %dma_start3A_143, %dma_start3A_144] : memref<2x125x128xf32, #tpu.memory_space<vmem>> -> memref<1x125x128xf32, #tpu.memory_space<vmem>>
        %dma_start3A_146 = tpu.memref_squeeze %dma_start3A_145 : memref<1x125x128xf32, #tpu.memory_space<vmem>> -> memref<125x128xf32, #tpu.memory_space<vmem>>
        %dma_start3A_147 = arith.constant 0 : i32
        %dma_start3A_148 = tpu.memref_slice %arg6[%select_n3A_72, %dma_start3A_147] : memref<2x125xi32, #tpu.memory_space<vmem>> -> memref<1x125xi32, #tpu.memory_space<vmem>>
        %dma_start3A_149 = tpu.memref_squeeze %dma_start3A_148 : memref<1x125xi32, #tpu.memory_space<vmem>> -> memref<125xi32, #tpu.memory_space<vmem>>
        %dma_start3A_150 = arith.constant 0 : i32
        %dma_start3A_151 = arith.constant 0 : i32
        %dma_start3A_152 = tpu.memref_slice %arg2[%dma_start3A_150, %dma_start3A_151] : memref<10000x128xf32, #tpu.memory_space<hbm>> -> memref<10000x128xf32, #tpu.memory_space<hbm>>
        %dma_start3A_153 = tpu.memref_slice %arg10[%select_n3A_72] : memref<2x!tpu.dma_semaphore, #tpu.memory_space<semaphore_mem>> -> memref<1x!tpu.dma_semaphore, #tpu.memory_space<semaphore_mem>>
        %dma_start3A_154 = tpu.memref_squeeze %dma_start3A_153 : memref<1x!tpu.dma_semaphore, #tpu.memory_space<semaphore_mem>> -> memref<!tpu.dma_semaphore, #tpu.memory_space<semaphore_mem>>
        tpu.enqueue_indirect_dma source(%dma_start3A_152 : memref<10000x128xf32, #tpu.memory_space<hbm>>) target(%dma_start3A_146 : memref<125x128xf32, #tpu.memory_space<vmem>>) offsets(%dma_start3A_149 : memref<125xi32, #tpu.memory_space<vmem>>) semaphore(%dma_start3A_154 : memref<!tpu.dma_semaphore, #tpu.memory_space<semaphore_mem>>)
      } else {
      }
    }
    %scan3A_25 = arith.constant 80 : i32
    %dma_wait3A = arith.constant 1 : i32
    %dma_wait3A_26 = arith.constant 1 : i32
    %dma_wait3A_27 = arith.constant 1 : i32
    %dma_wait3A_28 = arith.constant 0 : i32
    %dma_wait3A_29 = arith.constant 0 : i32
    %dma_wait3A_30 = tpu.memref_slice %arg8[%dma_wait3A, %dma_wait3A_28, %dma_wait3A_29] : memref<2x125x128xf32, #tpu.memory_space<vmem>> -> memref<1x125x128xf32, #tpu.memory_space<vmem>>
    %dma_wait3A_31 = tpu.memref_squeeze %dma_wait3A_30 : memref<1x125x128xf32, #tpu.memory_space<vmem>> -> memref<125x128xf32, #tpu.memory_space<vmem>>
    %dma_wait3A_32 = arith.constant 0 : i32
    %dma_wait3A_33 = tpu.memref_slice %arg7[%dma_wait3A_26, %dma_wait3A_32] : memref<2x125xi32, #tpu.memory_space<vmem>> -> memref<1x125xi32, #tpu.memory_space<vmem>>
    %dma_wait3A_34 = tpu.memref_squeeze %dma_wait3A_33 : memref<1x125xi32, #tpu.memory_space<vmem>> -> memref<125xi32, #tpu.memory_space<vmem>>
    %dma_wait3A_35 = arith.constant 0 : i32
    %dma_wait3A_36 = arith.constant 0 : i32
    %dma_wait3A_37 = tpu.memref_slice %arg9[%dma_wait3A_35, %dma_wait3A_36] : memref<10240x128xf32, #tpu.memory_space<vmem_shared>> -> memref<10240x128xf32, #tpu.memory_space<vmem_shared>>
    %dma_wait3A_38 = tpu.memref_slice %arg11[%dma_wait3A_27] : memref<2x!tpu.dma_semaphore, #tpu.memory_space<semaphore_mem>> -> memref<1x!tpu.dma_semaphore, #tpu.memory_space<semaphore_mem>>
    %dma_wait3A_39 = tpu.memref_squeeze %dma_wait3A_38 : memref<1x!tpu.dma_semaphore, #tpu.memory_space<semaphore_mem>> -> memref<!tpu.dma_semaphore, #tpu.memory_space<semaphore_mem>>
    tpu.wait_indirect_dma semaphore(%dma_wait3A_39 : memref<!tpu.dma_semaphore, #tpu.memory_space<semaphore_mem>>) src(%dma_wait3A_31 : memref<125x128xf32, #tpu.memory_space<vmem>>) dst(%dma_wait3A_37 : memref<10240x128xf32, #tpu.memory_space<vmem_shared>>)
    %barrier3A_40 = arith.constant 0 : index
    tpu.barrier barrier_id(%barrier3A_40)
    %mul3A_41 = arith.constant 640 : i32
    %mul3A_42 = arith.muli %arg1, %mul3A_41 : i32
    %mul3A_43 = arith.constant 640 : i32
    %mul3A_44 = arith.muli %arg1, %mul3A_43 : i32
    "tpu.region"() ({
      %run_scoped3A_45 = tpu.sem_alloc : memref<!tpu.dma_semaphore, #tpu.memory_space<semaphore_mem>>
      %dma_start3A_46 = arith.constant 0 : i32
      %dma_start3A_47 = tpu.memref_slice %arg5[%arg0, %mul3A_44, %dma_start3A_46] : memref<2x10240x128xf32, #tpu.memory_space<hbm>> -> memref<1x640x128xf32, #tpu.memory_space<hbm>>
      %dma_start3A_48 = tpu.memref_squeeze %dma_start3A_47 : memref<1x640x128xf32, #tpu.memory_space<hbm>> -> memref<640x128xf32, #tpu.memory_space<hbm>>
      %dma_start3A_49 = arith.constant 0 : i32
      %dma_start3A_50 = tpu.memref_slice %arg9[%mul3A_42, %dma_start3A_49] : memref<10240x128xf32, #tpu.memory_space<vmem_shared>> -> memref<640x128xf32, #tpu.memory_space<vmem_shared>>
      tpu.enqueue_dma source(%dma_start3A_50 : memref<640x128xf32, #tpu.memory_space<vmem_shared>>) target(%dma_start3A_48 : memref<640x128xf32, #tpu.memory_space<hbm>>) target_semaphore(%run_scoped3A_45 : memref<!tpu.dma_semaphore, #tpu.memory_space<semaphore_mem>>)
      %dma_wait3A_51 = arith.constant 0 : i32
      %dma_wait3A_52 = tpu.memref_slice %arg5[%arg0, %mul3A_44, %dma_wait3A_51] : memref<2x10240x128xf32, #tpu.memory_space<hbm>> -> memref<1x640x128xf32, #tpu.memory_space<hbm>>
      %dma_wait3A_53 = tpu.memref_squeeze %dma_wait3A_52 : memref<1x640x128xf32, #tpu.memory_space<hbm>> -> memref<640x128xf32, #tpu.memory_space<hbm>>
      %dma_wait3A_54 = arith.constant 0 : i32
      %dma_wait3A_55 = tpu.memref_slice %arg9[%mul3A_42, %dma_wait3A_54] : memref<10240x128xf32, #tpu.memory_space<vmem_shared>> -> memref<640x128xf32, #tpu.memory_space<vmem_shared>>
      tpu.wait_dma2 semaphore(%run_scoped3A_45 : memref<!tpu.dma_semaphore, #tpu.memory_space<semaphore_mem>>) src(%dma_wait3A_55 : memref<640x128xf32, #tpu.memory_space<vmem_shared>>) dst(%dma_wait3A_53 : memref<640x128xf32, #tpu.memory_space<hbm>>)
      tpu.yield
    }) : () -> ()
    return
  }
}

#map = affine_map<(d0, d1) -> (0, 0)>
#map1 = affine_map<(d0, d1) -> (0, 0, 0, 0)>
#map2 = affine_map<(d0, d1) -> (0, 0, 0)>
module attributes {stable_mosaic.version = 14 : i64} {
  func.func @agg_kernel(%arg0: i32, %arg1: i32, %arg2: memref<10000x64xf32, #tpu.memory_space<hbm>>, %arg3: memref<2x32x80x125xi32, #tpu.memory_space<hbm>>, %arg4: memref<640x64xf32, #tpu.memory_space<hbm>>, %arg5: memref<2x10240x64xf32, #tpu.memory_space<hbm>>, %arg6: memref<2x125xi32, #tpu.memory_space<vmem>>, %arg7: memref<2x125xi32, #tpu.memory_space<vmem>>, %arg8: memref<2x125x64xf32, #tpu.memory_space<vmem>>, %arg9: memref<10240x64xf32, #tpu.memory_space<vmem_shared>>, %arg10: memref<2x!tpu.dma_semaphore, #tpu.memory_space<semaphore_mem>>, %arg11: memref<2x!tpu.dma_semaphore, #tpu.memory_space<semaphore_mem>>, %arg12: memref<!tpu.dma_semaphore, #tpu.memory_space<semaphore_mem>>, %arg13: memref<!tpu.dma_semaphore, #tpu.memory_space<semaphore_mem>>) attributes {dimension_semantics = [#tpu.dimension_semantics<core_parallel>, #tpu.dimension_semantics<subcore_parallel>], iteration_bounds = array<i64: 2, 16>, scalar_prefetch = 0 : i64, scratch_operands = 8 : i64, tpu.core_type = #tpu.core_type<sc_vector_subcore>, window_params = [{transform_indices = #map}, {transform_indices = #map1}, {transform_indices = #map}, {transform_indices = #map2}]} {
    %mul3A = arith.constant 2 : i32
    %mul3A_0 = arith.muli %arg1, %mul3A : i32
    %add3A = arith.addi %mul3A_0, %arg0 : i32
    %mul3A_1 = arith.constant 640 : i32
    %mul3A_2 = arith.muli %arg1, %mul3A_1 : i32
    "tpu.region"() ({
      %run_scoped3A_45 = tpu.sem_alloc : memref<!tpu.dma_semaphore, #tpu.memory_space<semaphore_mem>>
      %dma_start3A_46 = arith.constant 0 : i32
      %dma_start3A_47 = tpu.memref_slice %arg9[%mul3A_2, %dma_start3A_46] : memref<10240x64xf32, #tpu.memory_space<vmem_shared>> -> memref<640x64xf32, #tpu.memory_space<vmem_shared>>
      tpu.enqueue_dma source(%arg4 : memref<640x64xf32, #tpu.memory_space<hbm>>) target(%dma_start3A_47 : memref<640x64xf32, #tpu.memory_space<vmem_shared>>) target_semaphore(%run_scoped3A_45 : memref<!tpu.dma_semaphore, #tpu.memory_space<semaphore_mem>>)
      %dma_wait3A_48 = arith.constant 0 : i32
      %dma_wait3A_49 = tpu.memref_slice %arg9[%mul3A_2, %dma_wait3A_48] : memref<10240x64xf32, #tpu.memory_space<vmem_shared>> -> memref<640x64xf32, #tpu.memory_space<vmem_shared>>
      tpu.wait_dma2 semaphore(%run_scoped3A_45 : memref<!tpu.dma_semaphore, #tpu.memory_space<semaphore_mem>>) src(%arg4 : memref<640x64xf32, #tpu.memory_space<hbm>>) dst(%dma_wait3A_49 : memref<640x64xf32, #tpu.memory_space<vmem_shared>>)
      tpu.yield
    }) : () -> ()
    %barrier3A = arith.constant 0 : index
    tpu.barrier barrier_id(%barrier3A)
    %run_scoped3A = arith.constant 0 : i32
    %run_scoped3A_3 = arith.constant 0 : i32
    %run_scoped3A_4 = arith.constant 0 : i32
    "tpu.region"() ({
      %run_scoped3A_45 = tpu.sem_alloc : memref<!tpu.dma_semaphore, #tpu.memory_space<semaphore_mem>>
      %dma_start3A_46 = arith.constant 0 : i32
      %dma_start3A_47 = tpu.memref_slice %arg6[%run_scoped3A_4, %dma_start3A_46] : memref<2x125xi32, #tpu.memory_space<vmem>> -> memref<1x125xi32, #tpu.memory_space<vmem>>
      %dma_start3A_48 = tpu.memref_squeeze %dma_start3A_47 : memref<1x125xi32, #tpu.memory_space<vmem>> -> memref<125xi32, #tpu.memory_space<vmem>>
      %dma_start3A_49 = arith.constant 0 : i32
      %dma_start3A_50 = tpu.memref_slice %arg3[%run_scoped3A, %add3A, %run_scoped3A_3, %dma_start3A_49] : memref<2x32x80x125xi32, #tpu.memory_space<hbm>> -> memref<1x1x1x125xi32, #tpu.memory_space<hbm>>
      %dma_start3A_51 = tpu.memref_squeeze %dma_start3A_50 : memref<1x1x1x125xi32, #tpu.memory_space<hbm>> -> memref<125xi32, #tpu.memory_space<hbm>>
      %dma_start3A_52 = arith.constant 0 : i32
      %dma_start3A_53 = tpu.memref_slice %arg6[%run_scoped3A_4, %dma_start3A_52] : memref<2x125xi32, #tpu.memory_space<vmem>> -> memref<1x125xi32, #tpu.memory_space<vmem>>
      %dma_start3A_54 = tpu.memref_squeeze %dma_start3A_53 : memref<1x125xi32, #tpu.memory_space<vmem>> -> memref<125xi32, #tpu.memory_space<vmem>>
      %dma_start3A_55 = arith.constant 0 : i32
      %dma_start3A_56 = tpu.memref_slice %arg3[%run_scoped3A, %add3A, %run_scoped3A_3, %dma_start3A_55] : memref<2x32x80x125xi32, #tpu.memory_space<hbm>> -> memref<1x1x1x125xi32, #tpu.memory_space<hbm>>
      %dma_start3A_57 = tpu.memref_squeeze %dma_start3A_56 : memref<1x1x1x125xi32, #tpu.memory_space<hbm>> -> memref<125xi32, #tpu.memory_space<hbm>>
      tpu.enqueue_dma source(%dma_start3A_57 : memref<125xi32, #tpu.memory_space<hbm>>) target(%dma_start3A_54 : memref<125xi32, #tpu.memory_space<vmem>>) target_semaphore(%run_scoped3A_45 : memref<!tpu.dma_semaphore, #tpu.memory_space<semaphore_mem>>)
      %dma_wait3A_58 = arith.constant 0 : i32
      %dma_wait3A_59 = tpu.memref_slice %arg6[%run_scoped3A_4, %dma_wait3A_58] : memref<2x125xi32, #tpu.memory_space<vmem>> -> memref<1x125xi32, #tpu.memory_space<vmem>>
      %dma_wait3A_60 = tpu.memref_squeeze %dma_wait3A_59 : memref<1x125xi32, #tpu.memory_space<vmem>> -> memref<125xi32, #tpu.memory_space<vmem>>
      %dma_wait3A_61 = arith.constant 0 : i32
      %dma_wait3A_62 = tpu.memref_slice %arg3[%run_scoped3A, %add3A, %run_scoped3A_3, %dma_wait3A_61] : memref<2x32x80x125xi32, #tpu.memory_space<hbm>> -> memref<1x1x1x125xi32, #tpu.memory_space<hbm>>
      %dma_wait3A_63 = tpu.memref_squeeze %dma_wait3A_62 : memref<1x1x1x125xi32, #tpu.memory_space<hbm>> -> memref<125xi32, #tpu.memory_space<hbm>>
      %dma_wait3A_64 = arith.constant 0 : i32
      %dma_wait3A_65 = tpu.memref_slice %arg6[%run_scoped3A_4, %dma_wait3A_64] : memref<2x125xi32, #tpu.memory_space<vmem>> -> memref<1x125xi32, #tpu.memory_space<vmem>>
      %dma_wait3A_66 = tpu.memref_squeeze %dma_wait3A_65 : memref<1x125xi32, #tpu.memory_space<vmem>> -> memref<125xi32, #tpu.memory_space<vmem>>
      %dma_wait3A_67 = arith.constant 0 : i32
      %dma_wait3A_68 = tpu.memref_slice %arg3[%run_scoped3A, %add3A, %run_scoped3A_3, %dma_wait3A_67] : memref<2x32x80x125xi32, #tpu.memory_space<hbm>> -> memref<1x1x1x125xi32, #tpu.memory_space<hbm>>
      %dma_wait3A_69 = tpu.memref_squeeze %dma_wait3A_68 : memref<1x1x1x125xi32, #tpu.memory_space<hbm>> -> memref<125xi32, #tpu.memory_space<hbm>>
      tpu.wait_dma2 semaphore(%run_scoped3A_45 : memref<!tpu.dma_semaphore, #tpu.memory_space<semaphore_mem>>) src(%dma_wait3A_69 : memref<125xi32, #tpu.memory_space<hbm>>) dst(%dma_wait3A_66 : memref<125xi32, #tpu.memory_space<vmem>>)
      tpu.yield
    }) : () -> ()
    %run_scoped3A_5 = arith.constant 1 : i32
    %run_scoped3A_6 = arith.constant 0 : i32
    %run_scoped3A_7 = arith.constant 0 : i32
    "tpu.region"() ({
      %run_scoped3A_45 = tpu.sem_alloc : memref<!tpu.dma_semaphore, #tpu.memory_space<semaphore_mem>>
      %dma_start3A_46 = arith.constant 0 : i32
      %dma_start3A_47 = tpu.memref_slice %arg7[%run_scoped3A_7, %dma_start3A_46] : memref<2x125xi32, #tpu.memory_space<vmem>> -> memref<1x125xi32, #tpu.memory_space<vmem>>
      %dma_start3A_48 = tpu.memref_squeeze %dma_start3A_47 : memref<1x125xi32, #tpu.memory_space<vmem>> -> memref<125xi32, #tpu.memory_space<vmem>>
      %dma_start3A_49 = arith.constant 0 : i32
      %dma_start3A_50 = tpu.memref_slice %arg3[%run_scoped3A_5, %add3A, %run_scoped3A_6, %dma_start3A_49] : memref<2x32x80x125xi32, #tpu.memory_space<hbm>> -> memref<1x1x1x125xi32, #tpu.memory_space<hbm>>
      %dma_start3A_51 = tpu.memref_squeeze %dma_start3A_50 : memref<1x1x1x125xi32, #tpu.memory_space<hbm>> -> memref<125xi32, #tpu.memory_space<hbm>>
      %dma_start3A_52 = arith.constant 0 : i32
      %dma_start3A_53 = tpu.memref_slice %arg7[%run_scoped3A_7, %dma_start3A_52] : memref<2x125xi32, #tpu.memory_space<vmem>> -> memref<1x125xi32, #tpu.memory_space<vmem>>
      %dma_start3A_54 = tpu.memref_squeeze %dma_start3A_53 : memref<1x125xi32, #tpu.memory_space<vmem>> -> memref<125xi32, #tpu.memory_space<vmem>>
      %dma_start3A_55 = arith.constant 0 : i32
      %dma_start3A_56 = tpu.memref_slice %arg3[%run_scoped3A_5, %add3A, %run_scoped3A_6, %dma_start3A_55] : memref<2x32x80x125xi32, #tpu.memory_space<hbm>> -> memref<1x1x1x125xi32, #tpu.memory_space<hbm>>
      %dma_start3A_57 = tpu.memref_squeeze %dma_start3A_56 : memref<1x1x1x125xi32, #tpu.memory_space<hbm>> -> memref<125xi32, #tpu.memory_space<hbm>>
      tpu.enqueue_dma source(%dma_start3A_57 : memref<125xi32, #tpu.memory_space<hbm>>) target(%dma_start3A_54 : memref<125xi32, #tpu.memory_space<vmem>>) target_semaphore(%run_scoped3A_45 : memref<!tpu.dma_semaphore, #tpu.memory_space<semaphore_mem>>)
      %dma_wait3A_58 = arith.constant 0 : i32
      %dma_wait3A_59 = tpu.memref_slice %arg7[%run_scoped3A_7, %dma_wait3A_58] : memref<2x125xi32, #tpu.memory_space<vmem>> -> memref<1x125xi32, #tpu.memory_space<vmem>>
      %dma_wait3A_60 = tpu.memref_squeeze %dma_wait3A_59 : memref<1x125xi32, #tpu.memory_space<vmem>> -> memref<125xi32, #tpu.memory_space<vmem>>
      %dma_wait3A_61 = arith.constant 0 : i32
      %dma_wait3A_62 = tpu.memref_slice %arg3[%run_scoped3A_5, %add3A, %run_scoped3A_6, %dma_wait3A_61] : memref<2x32x80x125xi32, #tpu.memory_space<hbm>> -> memref<1x1x1x125xi32, #tpu.memory_space<hbm>>
      %dma_wait3A_63 = tpu.memref_squeeze %dma_wait3A_62 : memref<1x1x1x125xi32, #tpu.memory_space<hbm>> -> memref<125xi32, #tpu.memory_space<hbm>>
      %dma_wait3A_64 = arith.constant 0 : i32
      %dma_wait3A_65 = tpu.memref_slice %arg7[%run_scoped3A_7, %dma_wait3A_64] : memref<2x125xi32, #tpu.memory_space<vmem>> -> memref<1x125xi32, #tpu.memory_space<vmem>>
      %dma_wait3A_66 = tpu.memref_squeeze %dma_wait3A_65 : memref<1x125xi32, #tpu.memory_space<vmem>> -> memref<125xi32, #tpu.memory_space<vmem>>
      %dma_wait3A_67 = arith.constant 0 : i32
      %dma_wait3A_68 = tpu.memref_slice %arg3[%run_scoped3A_5, %add3A, %run_scoped3A_6, %dma_wait3A_67] : memref<2x32x80x125xi32, #tpu.memory_space<hbm>> -> memref<1x1x1x125xi32, #tpu.memory_space<hbm>>
      %dma_wait3A_69 = tpu.memref_squeeze %dma_wait3A_68 : memref<1x1x1x125xi32, #tpu.memory_space<hbm>> -> memref<125xi32, #tpu.memory_space<hbm>>
      tpu.wait_dma2 semaphore(%run_scoped3A_45 : memref<!tpu.dma_semaphore, #tpu.memory_space<semaphore_mem>>) src(%dma_wait3A_69 : memref<125xi32, #tpu.memory_space<hbm>>) dst(%dma_wait3A_66 : memref<125xi32, #tpu.memory_space<vmem>>)
      tpu.yield
    }) : () -> ()
    %dma_start3A = arith.constant 0 : i32
    %dma_start3A_8 = arith.constant 0 : i32
    %dma_start3A_9 = arith.constant 0 : i32
    %dma_start3A_10 = arith.constant 0 : i32
    %dma_start3A_11 = arith.constant 0 : i32
    %dma_start3A_12 = tpu.memref_slice %arg8[%dma_start3A_8, %dma_start3A_10, %dma_start3A_11] : memref<2x125x64xf32, #tpu.memory_space<vmem>> -> memref<1x125x64xf32, #tpu.memory_space<vmem>>
    %dma_start3A_13 = tpu.memref_squeeze %dma_start3A_12 : memref<1x125x64xf32, #tpu.memory_space<vmem>> -> memref<125x64xf32, #tpu.memory_space<vmem>>
    %dma_start3A_14 = arith.constant 0 : i32
    %dma_start3A_15 = tpu.memref_slice %arg6[%dma_start3A, %dma_start3A_14] : memref<2x125xi32, #tpu.memory_space<vmem>> -> memref<1x125xi32, #tpu.memory_space<vmem>>
    %dma_start3A_16 = tpu.memref_squeeze %dma_start3A_15 : memref<1x125xi32, #tpu.memory_space<vmem>> -> memref<125xi32, #tpu.memory_space<vmem>>
    %dma_start3A_17 = arith.constant 0 : i32
    %dma_start3A_18 = arith.constant 0 : i32
    %dma_start3A_19 = tpu.memref_slice %arg2[%dma_start3A_17, %dma_start3A_18] : memref<10000x64xf32, #tpu.memory_space<hbm>> -> memref<10000x64xf32, #tpu.memory_space<hbm>>
    %dma_start3A_20 = tpu.memref_slice %arg10[%dma_start3A_9] : memref<2x!tpu.dma_semaphore, #tpu.memory_space<semaphore_mem>> -> memref<1x!tpu.dma_semaphore, #tpu.memory_space<semaphore_mem>>
    %dma_start3A_21 = tpu.memref_squeeze %dma_start3A_20 : memref<1x!tpu.dma_semaphore, #tpu.memory_space<semaphore_mem>> -> memref<!tpu.dma_semaphore, #tpu.memory_space<semaphore_mem>>
    tpu.enqueue_indirect_dma source(%dma_start3A_19 : memref<10000x64xf32, #tpu.memory_space<hbm>>) target(%dma_start3A_13 : memref<125x64xf32, #tpu.memory_space<vmem>>) offsets(%dma_start3A_16 : memref<125xi32, #tpu.memory_space<vmem>>) semaphore(%dma_start3A_21 : memref<!tpu.dma_semaphore, #tpu.memory_space<semaphore_mem>>)
    %scan3A = arith.constant 0 : i32
    %scan3A_22 = arith.constant 80 : i32
    %scan3A_23 = arith.addi %scan3A, %scan3A_22 : i32
    %scan3A_24 = arith.constant 1 : i32
    scf.for %scan3A_45 = %scan3A to %scan3A_23 step %scan3A_24  : i32 {
      %jit3A = arith.constant 2 : i32
      %eq3A = arith.constant 0 : i32
      %eq3A_46 = arith.cmpi eq, %jit3A, %eq3A : i32
      %jit3A_47 = arith.constant 1 : i32
      %select_n3A = arith.select %eq3A_46, %jit3A_47, %jit3A : i32
      %rem3A = arith.remsi %scan3A_45, %select_n3A : i32
      %ne3A = arith.constant 0 : i32
      %ne3A_48 = arith.cmpi ne, %rem3A, %ne3A : i32
      %lt3A = arith.constant 0 : i32
      %lt3A_49 = arith.cmpi slt, %rem3A, %lt3A : i32
      %lt3A_50 = arith.constant 0 : i32
      %lt3A_51 = arith.cmpi slt, %select_n3A, %lt3A_50 : i32
      %ne3A_52 = arith.xori %lt3A_49, %lt3A_51 : i1
      %and3A = arith.andi %ne3A_52, %ne3A_48 : i1
      %add3A_53 = arith.addi %rem3A, %select_n3A : i32
      %select_n3A_54 = arith.select %and3A, %add3A_53, %rem3A : i32
      %add3A_55 = arith.constant 1 : i32
      %add3A_56 = arith.addi %scan3A_45, %add3A_55 : i32
      %jit3A_57 = arith.constant 2 : i32
      %eq3A_58 = arith.constant 0 : i32
      %eq3A_59 = arith.cmpi eq, %jit3A_57, %eq3A_58 : i32
      %jit3A_60 = arith.constant 1 : i32
      %select_n3A_61 = arith.select %eq3A_59, %jit3A_60, %jit3A_57 : i32
      %rem3A_62 = arith.remsi %add3A_56, %select_n3A_61 : i32
      %ne3A_63 = arith.constant 0 : i32
      %ne3A_64 = arith.cmpi ne, %rem3A_62, %ne3A_63 : i32
      %lt3A_65 = arith.constant 0 : i32
      %lt3A_66 = arith.cmpi slt, %rem3A_62, %lt3A_65 : i32
      %lt3A_67 = arith.constant 0 : i32
      %lt3A_68 = arith.cmpi slt, %select_n3A_61, %lt3A_67 : i32
      %ne3A_69 = arith.xori %lt3A_66, %lt3A_68 : i1
      %and3A_70 = arith.andi %ne3A_69, %ne3A_64 : i1
      %add3A_71 = arith.addi %rem3A_62, %select_n3A_61 : i32
      %select_n3A_72 = arith.select %and3A_70, %add3A_71, %rem3A_62 : i32
      %ge3A = arith.constant 1 : i32
      %ge3A_73 = arith.cmpi sge, %scan3A_45, %ge3A : i32
      %convert_element_type3A = arith.extui %ge3A_73 : i1 to i32
      %cond3A = arith.constant 0 : i32
      %cond3A_74 = arith.cmpi ne, %convert_element_type3A, %cond3A : i32
      scf.if %cond3A_74 {
        %dma_wait3A_113 = arith.constant 0 : i32
        %dma_wait3A_114 = arith.constant 0 : i32
        %dma_wait3A_115 = tpu.memref_slice %arg8[%select_n3A_72, %dma_wait3A_113, %dma_wait3A_114] : memref<2x125x64xf32, #tpu.memory_space<vmem>> -> memref<1x125x64xf32, #tpu.memory_space<vmem>>
        %dma_wait3A_116 = tpu.memref_squeeze %dma_wait3A_115 : memref<1x125x64xf32, #tpu.memory_space<vmem>> -> memref<125x64xf32, #tpu.memory_space<vmem>>
        %dma_wait3A_117 = arith.constant 0 : i32
        %dma_wait3A_118 = tpu.memref_slice %arg7[%select_n3A_72, %dma_wait3A_117] : memref<2x125xi32, #tpu.memory_space<vmem>> -> memref<1x125xi32, #tpu.memory_space<vmem>>
        %dma_wait3A_119 = tpu.memref_squeeze %dma_wait3A_118 : memref<1x125xi32, #tpu.memory_space<vmem>> -> memref<125xi32, #tpu.memory_space<vmem>>
        %dma_wait3A_120 = arith.constant 0 : i32
        %dma_wait3A_121 = arith.constant 0 : i32
        %dma_wait3A_122 = tpu.memref_slice %arg9[%dma_wait3A_120, %dma_wait3A_121] : memref<10240x64xf32, #tpu.memory_space<vmem_shared>> -> memref<10240x64xf32, #tpu.memory_space<vmem_shared>>
        %dma_wait3A_123 = tpu.memref_slice %arg11[%select_n3A_72] : memref<2x!tpu.dma_semaphore, #tpu.memory_space<semaphore_mem>> -> memref<1x!tpu.dma_semaphore, #tpu.memory_space<semaphore_mem>>
        %dma_wait3A_124 = tpu.memref_squeeze %dma_wait3A_123 : memref<1x!tpu.dma_semaphore, #tpu.memory_space<semaphore_mem>> -> memref<!tpu.dma_semaphore, #tpu.memory_space<semaphore_mem>>
        tpu.wait_indirect_dma semaphore(%dma_wait3A_124 : memref<!tpu.dma_semaphore, #tpu.memory_space<semaphore_mem>>) src(%dma_wait3A_116 : memref<125x64xf32, #tpu.memory_space<vmem>>) dst(%dma_wait3A_122 : memref<10240x64xf32, #tpu.memory_space<vmem_shared>>)
      } else {
      }
      %add3A_75 = arith.constant 1 : i32
      %add3A_76 = arith.addi %scan3A_45, %add3A_75 : i32
      %lt3A_77 = arith.constant 80 : i32
      %lt3A_78 = arith.cmpi slt, %add3A_76, %lt3A_77 : i32
      %convert_element_type3A_79 = arith.extui %lt3A_78 : i1 to i32
      %cond3A_80 = arith.constant 0 : i32
      %cond3A_81 = arith.cmpi ne, %convert_element_type3A_79, %cond3A_80 : i32
      scf.if %cond3A_81 {
        %add3A_113 = arith.constant 1 : i32
        %add3A_114 = arith.addi %scan3A_45, %add3A_113 : i32
        %dma_start3A_115 = arith.constant 0 : i32
        %dma_start3A_116 = arith.constant 0 : i32
        %dma_start3A_117 = tpu.memref_slice %arg6[%select_n3A_72, %dma_start3A_116] : memref<2x125xi32, #tpu.memory_space<vmem>> -> memref<1x125xi32, #tpu.memory_space<vmem>>
        %dma_start3A_118 = tpu.memref_squeeze %dma_start3A_117 : memref<1x125xi32, #tpu.memory_space<vmem>> -> memref<125xi32, #tpu.memory_space<vmem>>
        %dma_start3A_119 = arith.constant 0 : i32
        %dma_start3A_120 = tpu.memref_slice %arg3[%dma_start3A_115, %add3A, %add3A_114, %dma_start3A_119] : memref<2x32x80x125xi32, #tpu.memory_space<hbm>> -> memref<1x1x1x125xi32, #tpu.memory_space<hbm>>
        %dma_start3A_121 = tpu.memref_squeeze %dma_start3A_120 : memref<1x1x1x125xi32, #tpu.memory_space<hbm>> -> memref<125xi32, #tpu.memory_space<hbm>>
        %dma_start3A_122 = arith.constant 0 : i32
        %dma_start3A_123 = tpu.memref_slice %arg6[%select_n3A_72, %dma_start3A_122] : memref<2x125xi32, #tpu.memory_space<vmem>> -> memref<1x125xi32, #tpu.memory_space<vmem>>
        %dma_start3A_124 = tpu.memref_squeeze %dma_start3A_123 : memref<1x125xi32, #tpu.memory_space<vmem>> -> memref<125xi32, #tpu.memory_space<vmem>>
        %dma_start3A_125 = arith.constant 0 : i32
        %dma_start3A_126 = tpu.memref_slice %arg3[%dma_start3A_115, %add3A, %add3A_114, %dma_start3A_125] : memref<2x32x80x125xi32, #tpu.memory_space<hbm>> -> memref<1x1x1x125xi32, #tpu.memory_space<hbm>>
        %dma_start3A_127 = tpu.memref_squeeze %dma_start3A_126 : memref<1x1x1x125xi32, #tpu.memory_space<hbm>> -> memref<125xi32, #tpu.memory_space<hbm>>
        tpu.enqueue_dma source(%dma_start3A_127 : memref<125xi32, #tpu.memory_space<hbm>>) target(%dma_start3A_124 : memref<125xi32, #tpu.memory_space<vmem>>) target_semaphore(%arg12 : memref<!tpu.dma_semaphore, #tpu.memory_space<semaphore_mem>>)
        %dma_start3A_128 = arith.constant 1 : i32
        %dma_start3A_129 = arith.constant 0 : i32
        %dma_start3A_130 = tpu.memref_slice %arg7[%select_n3A_72, %dma_start3A_129] : memref<2x125xi32, #tpu.memory_space<vmem>> -> memref<1x125xi32, #tpu.memory_space<vmem>>
        %dma_start3A_131 = tpu.memref_squeeze %dma_start3A_130 : memref<1x125xi32, #tpu.memory_space<vmem>> -> memref<125xi32, #tpu.memory_space<vmem>>
        %dma_start3A_132 = arith.constant 0 : i32
        %dma_start3A_133 = tpu.memref_slice %arg3[%dma_start3A_128, %add3A, %add3A_114, %dma_start3A_132] : memref<2x32x80x125xi32, #tpu.memory_space<hbm>> -> memref<1x1x1x125xi32, #tpu.memory_space<hbm>>
        %dma_start3A_134 = tpu.memref_squeeze %dma_start3A_133 : memref<1x1x1x125xi32, #tpu.memory_space<hbm>> -> memref<125xi32, #tpu.memory_space<hbm>>
        %dma_start3A_135 = arith.constant 0 : i32
        %dma_start3A_136 = tpu.memref_slice %arg7[%select_n3A_72, %dma_start3A_135] : memref<2x125xi32, #tpu.memory_space<vmem>> -> memref<1x125xi32, #tpu.memory_space<vmem>>
        %dma_start3A_137 = tpu.memref_squeeze %dma_start3A_136 : memref<1x125xi32, #tpu.memory_space<vmem>> -> memref<125xi32, #tpu.memory_space<vmem>>
        %dma_start3A_138 = arith.constant 0 : i32
        %dma_start3A_139 = tpu.memref_slice %arg3[%dma_start3A_128, %add3A, %add3A_114, %dma_start3A_138] : memref<2x32x80x125xi32, #tpu.memory_space<hbm>> -> memref<1x1x1x125xi32, #tpu.memory_space<hbm>>
        %dma_start3A_140 = tpu.memref_squeeze %dma_start3A_139 : memref<1x1x1x125xi32, #tpu.memory_space<hbm>> -> memref<125xi32, #tpu.memory_space<hbm>>
        tpu.enqueue_dma source(%dma_start3A_140 : memref<125xi32, #tpu.memory_space<hbm>>) target(%dma_start3A_137 : memref<125xi32, #tpu.memory_space<vmem>>) target_semaphore(%arg13 : memref<!tpu.dma_semaphore, #tpu.memory_space<semaphore_mem>>)
      } else {
      }
      %dma_wait3A_82 = arith.constant 0 : i32
      %dma_wait3A_83 = arith.constant 0 : i32
      %dma_wait3A_84 = tpu.memref_slice %arg8[%select_n3A_54, %dma_wait3A_82, %dma_wait3A_83] : memref<2x125x64xf32, #tpu.memory_space<vmem>> -> memref<1x125x64xf32, #tpu.memory_space<vmem>>
      %dma_wait3A_85 = tpu.memref_squeeze %dma_wait3A_84 : memref<1x125x64xf32, #tpu.memory_space<vmem>> -> memref<125x64xf32, #tpu.memory_space<vmem>>
      %dma_wait3A_86 = arith.constant 0 : i32
      %dma_wait3A_87 = tpu.memref_slice %arg6[%select_n3A_54, %dma_wait3A_86] : memref<2x125xi32, #tpu.memory_space<vmem>> -> memref<1x125xi32, #tpu.memory_space<vmem>>
      %dma_wait3A_88 = tpu.memref_squeeze %dma_wait3A_87 : memref<1x125xi32, #tpu.memory_space<vmem>> -> memref<125xi32, #tpu.memory_space<vmem>>
      %dma_wait3A_89 = arith.constant 0 : i32
      %dma_wait3A_90 = arith.constant 0 : i32
      %dma_wait3A_91 = tpu.memref_slice %arg2[%dma_wait3A_89, %dma_wait3A_90] : memref<10000x64xf32, #tpu.memory_space<hbm>> -> memref<10000x64xf32, #tpu.memory_space<hbm>>
      %dma_wait3A_92 = tpu.memref_slice %arg10[%select_n3A_54] : memref<2x!tpu.dma_semaphore, #tpu.memory_space<semaphore_mem>> -> memref<1x!tpu.dma_semaphore, #tpu.memory_space<semaphore_mem>>
      %dma_wait3A_93 = tpu.memref_squeeze %dma_wait3A_92 : memref<1x!tpu.dma_semaphore, #tpu.memory_space<semaphore_mem>> -> memref<!tpu.dma_semaphore, #tpu.memory_space<semaphore_mem>>
      tpu.wait_indirect_dma semaphore(%dma_wait3A_93 : memref<!tpu.dma_semaphore, #tpu.memory_space<semaphore_mem>>) src(%dma_wait3A_91 : memref<10000x64xf32, #tpu.memory_space<hbm>>) dst(%dma_wait3A_85 : memref<125x64xf32, #tpu.memory_space<vmem>>)
      %dma_start3A_94 = arith.constant 0 : i32
      %dma_start3A_95 = arith.constant 0 : i32
      %dma_start3A_96 = tpu.memref_slice %arg8[%select_n3A_54, %dma_start3A_94, %dma_start3A_95] : memref<2x125x64xf32, #tpu.memory_space<vmem>> -> memref<1x125x64xf32, #tpu.memory_space<vmem>>
      %dma_start3A_97 = tpu.memref_squeeze %dma_start3A_96 : memref<1x125x64xf32, #tpu.memory_space<vmem>> -> memref<125x64xf32, #tpu.memory_space<vmem>>
      %dma_start3A_98 = arith.constant 0 : i32
      %dma_start3A_99 = tpu.memref_slice %arg7[%select_n3A_54, %dma_start3A_98] : memref<2x125xi32, #tpu.memory_space<vmem>> -> memref<1x125xi32, #tpu.memory_space<vmem>>
      %dma_start3A_100 = tpu.memref_squeeze %dma_start3A_99 : memref<1x125xi32, #tpu.memory_space<vmem>> -> memref<125xi32, #tpu.memory_space<vmem>>
      %dma_start3A_101 = arith.constant 0 : i32
      %dma_start3A_102 = arith.constant 0 : i32
      %dma_start3A_103 = tpu.memref_slice %arg9[%dma_start3A_101, %dma_start3A_102] : memref<10240x64xf32, #tpu.memory_space<vmem_shared>> -> memref<10240x64xf32, #tpu.memory_space<vmem_shared>>
      %dma_start3A_104 = tpu.memref_slice %arg11[%select_n3A_54] : memref<2x!tpu.dma_semaphore, #tpu.memory_space<semaphore_mem>> -> memref<1x!tpu.dma_semaphore, #tpu.memory_space<semaphore_mem>>
      %dma_start3A_105 = tpu.memref_squeeze %dma_start3A_104 : memref<1x!tpu.dma_semaphore, #tpu.memory_space<semaphore_mem>> -> memref<!tpu.dma_semaphore, #tpu.memory_space<semaphore_mem>>
      tpu.enqueue_indirect_dma source(%dma_start3A_97 : memref<125x64xf32, #tpu.memory_space<vmem>>) target(%dma_start3A_103 : memref<10240x64xf32, #tpu.memory_space<vmem_shared>>) offsets(%dma_start3A_100 : memref<125xi32, #tpu.memory_space<vmem>>) semaphore(%dma_start3A_105 : memref<!tpu.dma_semaphore, #tpu.memory_space<semaphore_mem>>) {add = true}
      %add3A_106 = arith.constant 1 : i32
      %add3A_107 = arith.addi %scan3A_45, %add3A_106 : i32
      %lt3A_108 = arith.constant 80 : i32
      %lt3A_109 = arith.cmpi slt, %add3A_107, %lt3A_108 : i32
      %convert_element_type3A_110 = arith.extui %lt3A_109 : i1 to i32
      %cond3A_111 = arith.constant 0 : i32
      %cond3A_112 = arith.cmpi ne, %convert_element_type3A_110, %cond3A_111 : i32
      scf.if %cond3A_112 {
        %dma_wait3A_113 = arith.constant 0 : i32
        %dma_wait3A_114 = arith.constant 0 : i32
        %dma_wait3A_115 = arith.constant 0 : i32
        %dma_wait3A_116 = tpu.memref_slice %arg6[%select_n3A_72, %dma_wait3A_115] : memref<2x125xi32, #tpu.memory_space<vmem>> -> memref<1x125xi32, #tpu.memory_space<vmem>>
        %dma_wait3A_117 = tpu.memref_squeeze %dma_wait3A_116 : memref<1x125xi32, #tpu.memory_space<vmem>> -> memref<125xi32, #tpu.memory_space<vmem>>
        %dma_wait3A_118 = arith.constant 0 : i32
        %dma_wait3A_119 = tpu.memref_slice %arg3[%dma_wait3A_113, %add3A, %dma_wait3A_114, %dma_wait3A_118] : memref<2x32x80x125xi32, #tpu.memory_space<hbm>> -> memref<1x1x1x125xi32, #tpu.memory_space<hbm>>
        %dma_wait3A_120 = tpu.memref_squeeze %dma_wait3A_119 : memref<1x1x1x125xi32, #tpu.memory_space<hbm>> -> memref<125xi32, #tpu.memory_space<hbm>>
        %dma_wait3A_121 = arith.constant 0 : i32
        %dma_wait3A_122 = tpu.memref_slice %arg6[%select_n3A_72, %dma_wait3A_121] : memref<2x125xi32, #tpu.memory_space<vmem>> -> memref<1x125xi32, #tpu.memory_space<vmem>>
        %dma_wait3A_123 = tpu.memref_squeeze %dma_wait3A_122 : memref<1x125xi32, #tpu.memory_space<vmem>> -> memref<125xi32, #tpu.memory_space<vmem>>
        %dma_wait3A_124 = arith.constant 0 : i32
        %dma_wait3A_125 = tpu.memref_slice %arg3[%dma_wait3A_113, %add3A, %dma_wait3A_114, %dma_wait3A_124] : memref<2x32x80x125xi32, #tpu.memory_space<hbm>> -> memref<1x1x1x125xi32, #tpu.memory_space<hbm>>
        %dma_wait3A_126 = tpu.memref_squeeze %dma_wait3A_125 : memref<1x1x1x125xi32, #tpu.memory_space<hbm>> -> memref<125xi32, #tpu.memory_space<hbm>>
        tpu.wait_dma2 semaphore(%arg12 : memref<!tpu.dma_semaphore, #tpu.memory_space<semaphore_mem>>) src(%dma_wait3A_126 : memref<125xi32, #tpu.memory_space<hbm>>) dst(%dma_wait3A_123 : memref<125xi32, #tpu.memory_space<vmem>>)
        %dma_wait3A_127 = arith.constant 1 : i32
        %dma_wait3A_128 = arith.constant 0 : i32
        %dma_wait3A_129 = arith.constant 0 : i32
        %dma_wait3A_130 = tpu.memref_slice %arg7[%select_n3A_72, %dma_wait3A_129] : memref<2x125xi32, #tpu.memory_space<vmem>> -> memref<1x125xi32, #tpu.memory_space<vmem>>
        %dma_wait3A_131 = tpu.memref_squeeze %dma_wait3A_130 : memref<1x125xi32, #tpu.memory_space<vmem>> -> memref<125xi32, #tpu.memory_space<vmem>>
        %dma_wait3A_132 = arith.constant 0 : i32
        %dma_wait3A_133 = tpu.memref_slice %arg3[%dma_wait3A_127, %add3A, %dma_wait3A_128, %dma_wait3A_132] : memref<2x32x80x125xi32, #tpu.memory_space<hbm>> -> memref<1x1x1x125xi32, #tpu.memory_space<hbm>>
        %dma_wait3A_134 = tpu.memref_squeeze %dma_wait3A_133 : memref<1x1x1x125xi32, #tpu.memory_space<hbm>> -> memref<125xi32, #tpu.memory_space<hbm>>
        %dma_wait3A_135 = arith.constant 0 : i32
        %dma_wait3A_136 = tpu.memref_slice %arg7[%select_n3A_72, %dma_wait3A_135] : memref<2x125xi32, #tpu.memory_space<vmem>> -> memref<1x125xi32, #tpu.memory_space<vmem>>
        %dma_wait3A_137 = tpu.memref_squeeze %dma_wait3A_136 : memref<1x125xi32, #tpu.memory_space<vmem>> -> memref<125xi32, #tpu.memory_space<vmem>>
        %dma_wait3A_138 = arith.constant 0 : i32
        %dma_wait3A_139 = tpu.memref_slice %arg3[%dma_wait3A_127, %add3A, %dma_wait3A_128, %dma_wait3A_138] : memref<2x32x80x125xi32, #tpu.memory_space<hbm>> -> memref<1x1x1x125xi32, #tpu.memory_space<hbm>>
        %dma_wait3A_140 = tpu.memref_squeeze %dma_wait3A_139 : memref<1x1x1x125xi32, #tpu.memory_space<hbm>> -> memref<125xi32, #tpu.memory_space<hbm>>
        tpu.wait_dma2 semaphore(%arg13 : memref<!tpu.dma_semaphore, #tpu.memory_space<semaphore_mem>>) src(%dma_wait3A_140 : memref<125xi32, #tpu.memory_space<hbm>>) dst(%dma_wait3A_137 : memref<125xi32, #tpu.memory_space<vmem>>)
        %add3A_141 = arith.constant 1 : i32
        %add3A_142 = arith.addi %scan3A_45, %add3A_141 : i32
        %dma_start3A_143 = arith.constant 0 : i32
        %dma_start3A_144 = arith.constant 0 : i32
        %dma_start3A_145 = tpu.memref_slice %arg8[%select_n3A_72, %dma_start3A_143, %dma_start3A_144] : memref<2x125x64xf32, #tpu.memory_space<vmem>> -> memref<1x125x64xf32, #tpu.memory_space<vmem>>
        %dma_start3A_146 = tpu.memref_squeeze %dma_start3A_145 : memref<1x125x64xf32, #tpu.memory_space<vmem>> -> memref<125x64xf32, #tpu.memory_space<vmem>>
        %dma_start3A_147 = arith.constant 0 : i32
        %dma_start3A_148 = tpu.memref_slice %arg6[%select_n3A_72, %dma_start3A_147] : memref<2x125xi32, #tpu.memory_space<vmem>> -> memref<1x125xi32, #tpu.memory_space<vmem>>
        %dma_start3A_149 = tpu.memref_squeeze %dma_start3A_148 : memref<1x125xi32, #tpu.memory_space<vmem>> -> memref<125xi32, #tpu.memory_space<vmem>>
        %dma_start3A_150 = arith.constant 0 : i32
        %dma_start3A_151 = arith.constant 0 : i32
        %dma_start3A_152 = tpu.memref_slice %arg2[%dma_start3A_150, %dma_start3A_151] : memref<10000x64xf32, #tpu.memory_space<hbm>> -> memref<10000x64xf32, #tpu.memory_space<hbm>>
        %dma_start3A_153 = tpu.memref_slice %arg10[%select_n3A_72] : memref<2x!tpu.dma_semaphore, #tpu.memory_space<semaphore_mem>> -> memref<1x!tpu.dma_semaphore, #tpu.memory_space<semaphore_mem>>
        %dma_start3A_154 = tpu.memref_squeeze %dma_start3A_153 : memref<1x!tpu.dma_semaphore, #tpu.memory_space<semaphore_mem>> -> memref<!tpu.dma_semaphore, #tpu.memory_space<semaphore_mem>>
        tpu.enqueue_indirect_dma source(%dma_start3A_152 : memref<10000x64xf32, #tpu.memory_space<hbm>>) target(%dma_start3A_146 : memref<125x64xf32, #tpu.memory_space<vmem>>) offsets(%dma_start3A_149 : memref<125xi32, #tpu.memory_space<vmem>>) semaphore(%dma_start3A_154 : memref<!tpu.dma_semaphore, #tpu.memory_space<semaphore_mem>>)
      } else {
      }
    }
    %scan3A_25 = arith.constant 80 : i32
    %dma_wait3A = arith.constant 1 : i32
    %dma_wait3A_26 = arith.constant 1 : i32
    %dma_wait3A_27 = arith.constant 1 : i32
    %dma_wait3A_28 = arith.constant 0 : i32
    %dma_wait3A_29 = arith.constant 0 : i32
    %dma_wait3A_30 = tpu.memref_slice %arg8[%dma_wait3A, %dma_wait3A_28, %dma_wait3A_29] : memref<2x125x64xf32, #tpu.memory_space<vmem>> -> memref<1x125x64xf32, #tpu.memory_space<vmem>>
    %dma_wait3A_31 = tpu.memref_squeeze %dma_wait3A_30 : memref<1x125x64xf32, #tpu.memory_space<vmem>> -> memref<125x64xf32, #tpu.memory_space<vmem>>
    %dma_wait3A_32 = arith.constant 0 : i32
    %dma_wait3A_33 = tpu.memref_slice %arg7[%dma_wait3A_26, %dma_wait3A_32] : memref<2x125xi32, #tpu.memory_space<vmem>> -> memref<1x125xi32, #tpu.memory_space<vmem>>
    %dma_wait3A_34 = tpu.memref_squeeze %dma_wait3A_33 : memref<1x125xi32, #tpu.memory_space<vmem>> -> memref<125xi32, #tpu.memory_space<vmem>>
    %dma_wait3A_35 = arith.constant 0 : i32
    %dma_wait3A_36 = arith.constant 0 : i32
    %dma_wait3A_37 = tpu.memref_slice %arg9[%dma_wait3A_35, %dma_wait3A_36] : memref<10240x64xf32, #tpu.memory_space<vmem_shared>> -> memref<10240x64xf32, #tpu.memory_space<vmem_shared>>
    %dma_wait3A_38 = tpu.memref_slice %arg11[%dma_wait3A_27] : memref<2x!tpu.dma_semaphore, #tpu.memory_space<semaphore_mem>> -> memref<1x!tpu.dma_semaphore, #tpu.memory_space<semaphore_mem>>
    %dma_wait3A_39 = tpu.memref_squeeze %dma_wait3A_38 : memref<1x!tpu.dma_semaphore, #tpu.memory_space<semaphore_mem>> -> memref<!tpu.dma_semaphore, #tpu.memory_space<semaphore_mem>>
    tpu.wait_indirect_dma semaphore(%dma_wait3A_39 : memref<!tpu.dma_semaphore, #tpu.memory_space<semaphore_mem>>) src(%dma_wait3A_31 : memref<125x64xf32, #tpu.memory_space<vmem>>) dst(%dma_wait3A_37 : memref<10240x64xf32, #tpu.memory_space<vmem_shared>>)
    %barrier3A_40 = arith.constant 0 : index
    tpu.barrier barrier_id(%barrier3A_40)
    %mul3A_41 = arith.constant 640 : i32
    %mul3A_42 = arith.muli %arg1, %mul3A_41 : i32
    %mul3A_43 = arith.constant 640 : i32
    %mul3A_44 = arith.muli %arg1, %mul3A_43 : i32
    "tpu.region"() ({
      %run_scoped3A_45 = tpu.sem_alloc : memref<!tpu.dma_semaphore, #tpu.memory_space<semaphore_mem>>
      %dma_start3A_46 = arith.constant 0 : i32
      %dma_start3A_47 = tpu.memref_slice %arg5[%arg0, %mul3A_44, %dma_start3A_46] : memref<2x10240x64xf32, #tpu.memory_space<hbm>> -> memref<1x640x64xf32, #tpu.memory_space<hbm>>
      %dma_start3A_48 = tpu.memref_squeeze %dma_start3A_47 : memref<1x640x64xf32, #tpu.memory_space<hbm>> -> memref<640x64xf32, #tpu.memory_space<hbm>>
      %dma_start3A_49 = arith.constant 0 : i32
      %dma_start3A_50 = tpu.memref_slice %arg9[%mul3A_42, %dma_start3A_49] : memref<10240x64xf32, #tpu.memory_space<vmem_shared>> -> memref<640x64xf32, #tpu.memory_space<vmem_shared>>
      tpu.enqueue_dma source(%dma_start3A_50 : memref<640x64xf32, #tpu.memory_space<vmem_shared>>) target(%dma_start3A_48 : memref<640x64xf32, #tpu.memory_space<hbm>>) target_semaphore(%run_scoped3A_45 : memref<!tpu.dma_semaphore, #tpu.memory_space<semaphore_mem>>)
      %dma_wait3A_51 = arith.constant 0 : i32
      %dma_wait3A_52 = tpu.memref_slice %arg5[%arg0, %mul3A_44, %dma_wait3A_51] : memref<2x10240x64xf32, #tpu.memory_space<hbm>> -> memref<1x640x64xf32, #tpu.memory_space<hbm>>
      %dma_wait3A_53 = tpu.memref_squeeze %dma_wait3A_52 : memref<1x640x64xf32, #tpu.memory_space<hbm>> -> memref<640x64xf32, #tpu.memory_space<hbm>>
      %dma_wait3A_54 = arith.constant 0 : i32
      %dma_wait3A_55 = tpu.memref_slice %arg9[%mul3A_42, %dma_wait3A_54] : memref<10240x64xf32, #tpu.memory_space<vmem_shared>> -> memref<640x64xf32, #tpu.memory_space<vmem_shared>>
      tpu.wait_dma2 semaphore(%run_scoped3A_45 : memref<!tpu.dma_semaphore, #tpu.memory_space<semaphore_mem>>) src(%dma_wait3A_55 : memref<640x64xf32, #tpu.memory_space<vmem_shared>>) dst(%dma_wait3A_53 : memref<640x64xf32, #tpu.memory_space<hbm>>)
      tpu.yield
    }) : () -> ()
    return
  }
}

#map = affine_map<(d0, d1) -> (0, 0, 0, 0)>
#map1 = affine_map<(d0, d1) -> (0)>
#map2 = affine_map<(d0, d1) -> (0, 0, 0)>
module attributes {stable_mosaic.version = 14 : i64} {
  func.func @deg_kernel(%arg0: i32, %arg1: i32, %arg2: memref<2x32x80x125xi32, #tpu.memory_space<hbm>>, %arg3: memref<125xf32, #tpu.memory_space<hbm>>, %arg4: memref<640xf32, #tpu.memory_space<hbm>>, %arg5: memref<2x2x10240xf32, #tpu.memory_space<hbm>>, %arg6: memref<80x125xi32, #tpu.memory_space<vmem>>, %arg7: memref<80x125xi32, #tpu.memory_space<vmem>>, %arg8: memref<125xf32, #tpu.memory_space<vmem>>, %arg9: memref<10240xf32, #tpu.memory_space<vmem_shared>>, %arg10: memref<10240xf32, #tpu.memory_space<vmem_shared>>, %arg11: memref<!tpu.dma_semaphore, #tpu.memory_space<semaphore_mem>>, %arg12: memref<!tpu.dma_semaphore, #tpu.memory_space<semaphore_mem>>, %arg13: memref<!tpu.dma_semaphore, #tpu.memory_space<semaphore_mem>>, %arg14: memref<!tpu.dma_semaphore, #tpu.memory_space<semaphore_mem>>, %arg15: memref<!tpu.dma_semaphore, #tpu.memory_space<semaphore_mem>>, %arg16: memref<!tpu.dma_semaphore, #tpu.memory_space<semaphore_mem>>, %arg17: memref<!tpu.dma_semaphore, #tpu.memory_space<semaphore_mem>>, %arg18: memref<!tpu.dma_semaphore, #tpu.memory_space<semaphore_mem>>) attributes {dimension_semantics = [#tpu.dimension_semantics<core_parallel>, #tpu.dimension_semantics<subcore_parallel>], iteration_bounds = array<i64: 2, 16>, scalar_prefetch = 0 : i64, scratch_operands = 13 : i64, tpu.core_type = #tpu.core_type<sc_vector_subcore>, window_params = [{transform_indices = #map}, {transform_indices = #map1}, {transform_indices = #map1}, {transform_indices = #map2}]} {
    %mul3A = arith.constant 2 : i32
    %mul3A_0 = arith.muli %arg1, %mul3A : i32
    %add3A = arith.addi %mul3A_0, %arg0 : i32
    "tpu.region"() ({
      %run_scoped3A_21 = tpu.sem_alloc : memref<!tpu.dma_semaphore, #tpu.memory_space<semaphore_mem>>
      tpu.enqueue_dma source(%arg3 : memref<125xf32, #tpu.memory_space<hbm>>) target(%arg8 : memref<125xf32, #tpu.memory_space<vmem>>) target_semaphore(%run_scoped3A_21 : memref<!tpu.dma_semaphore, #tpu.memory_space<semaphore_mem>>)
      tpu.wait_dma2 semaphore(%run_scoped3A_21 : memref<!tpu.dma_semaphore, #tpu.memory_space<semaphore_mem>>) src(%arg3 : memref<125xf32, #tpu.memory_space<hbm>>) dst(%arg8 : memref<125xf32, #tpu.memory_space<vmem>>)
      tpu.yield
    }) : () -> ()
    %run_scoped3A = arith.constant 0 : i32
    "tpu.region"() ({
      %run_scoped3A_21 = tpu.sem_alloc : memref<!tpu.dma_semaphore, #tpu.memory_space<semaphore_mem>>
      %dma_start3A = arith.constant 0 : i32
      %dma_start3A_22 = arith.constant 0 : i32
      %dma_start3A_23 = tpu.memref_slice %arg2[%run_scoped3A, %add3A, %dma_start3A, %dma_start3A_22] : memref<2x32x80x125xi32, #tpu.memory_space<hbm>> -> memref<1x1x80x125xi32, #tpu.memory_space<hbm>>
      %dma_start3A_24 = tpu.memref_squeeze %dma_start3A_23 : memref<1x1x80x125xi32, #tpu.memory_space<hbm>> -> memref<80x125xi32, #tpu.memory_space<hbm>>
      %dma_start3A_25 = arith.constant 0 : i32
      %dma_start3A_26 = arith.constant 0 : i32
      %dma_start3A_27 = tpu.memref_slice %arg2[%run_scoped3A, %add3A, %dma_start3A_25, %dma_start3A_26] : memref<2x32x80x125xi32, #tpu.memory_space<hbm>> -> memref<1x1x80x125xi32, #tpu.memory_space<hbm>>
      %dma_start3A_28 = tpu.memref_squeeze %dma_start3A_27 : memref<1x1x80x125xi32, #tpu.memory_space<hbm>> -> memref<80x125xi32, #tpu.memory_space<hbm>>
      tpu.enqueue_dma source(%dma_start3A_28 : memref<80x125xi32, #tpu.memory_space<hbm>>) target(%arg6 : memref<80x125xi32, #tpu.memory_space<vmem>>) target_semaphore(%run_scoped3A_21 : memref<!tpu.dma_semaphore, #tpu.memory_space<semaphore_mem>>)
      %dma_wait3A = arith.constant 0 : i32
      %dma_wait3A_29 = arith.constant 0 : i32
      %dma_wait3A_30 = tpu.memref_slice %arg2[%run_scoped3A, %add3A, %dma_wait3A, %dma_wait3A_29] : memref<2x32x80x125xi32, #tpu.memory_space<hbm>> -> memref<1x1x80x125xi32, #tpu.memory_space<hbm>>
      %dma_wait3A_31 = tpu.memref_squeeze %dma_wait3A_30 : memref<1x1x80x125xi32, #tpu.memory_space<hbm>> -> memref<80x125xi32, #tpu.memory_space<hbm>>
      %dma_wait3A_32 = arith.constant 0 : i32
      %dma_wait3A_33 = arith.constant 0 : i32
      %dma_wait3A_34 = tpu.memref_slice %arg2[%run_scoped3A, %add3A, %dma_wait3A_32, %dma_wait3A_33] : memref<2x32x80x125xi32, #tpu.memory_space<hbm>> -> memref<1x1x80x125xi32, #tpu.memory_space<hbm>>
      %dma_wait3A_35 = tpu.memref_squeeze %dma_wait3A_34 : memref<1x1x80x125xi32, #tpu.memory_space<hbm>> -> memref<80x125xi32, #tpu.memory_space<hbm>>
      tpu.wait_dma2 semaphore(%run_scoped3A_21 : memref<!tpu.dma_semaphore, #tpu.memory_space<semaphore_mem>>) src(%dma_wait3A_35 : memref<80x125xi32, #tpu.memory_space<hbm>>) dst(%arg6 : memref<80x125xi32, #tpu.memory_space<vmem>>)
      tpu.yield
    }) : () -> ()
    %run_scoped3A_1 = arith.constant 1 : i32
    "tpu.region"() ({
      %run_scoped3A_21 = tpu.sem_alloc : memref<!tpu.dma_semaphore, #tpu.memory_space<semaphore_mem>>
      %dma_start3A = arith.constant 0 : i32
      %dma_start3A_22 = arith.constant 0 : i32
      %dma_start3A_23 = tpu.memref_slice %arg2[%run_scoped3A_1, %add3A, %dma_start3A, %dma_start3A_22] : memref<2x32x80x125xi32, #tpu.memory_space<hbm>> -> memref<1x1x80x125xi32, #tpu.memory_space<hbm>>
      %dma_start3A_24 = tpu.memref_squeeze %dma_start3A_23 : memref<1x1x80x125xi32, #tpu.memory_space<hbm>> -> memref<80x125xi32, #tpu.memory_space<hbm>>
      %dma_start3A_25 = arith.constant 0 : i32
      %dma_start3A_26 = arith.constant 0 : i32
      %dma_start3A_27 = tpu.memref_slice %arg2[%run_scoped3A_1, %add3A, %dma_start3A_25, %dma_start3A_26] : memref<2x32x80x125xi32, #tpu.memory_space<hbm>> -> memref<1x1x80x125xi32, #tpu.memory_space<hbm>>
      %dma_start3A_28 = tpu.memref_squeeze %dma_start3A_27 : memref<1x1x80x125xi32, #tpu.memory_space<hbm>> -> memref<80x125xi32, #tpu.memory_space<hbm>>
      tpu.enqueue_dma source(%dma_start3A_28 : memref<80x125xi32, #tpu.memory_space<hbm>>) target(%arg7 : memref<80x125xi32, #tpu.memory_space<vmem>>) target_semaphore(%run_scoped3A_21 : memref<!tpu.dma_semaphore, #tpu.memory_space<semaphore_mem>>)
      %dma_wait3A = arith.constant 0 : i32
      %dma_wait3A_29 = arith.constant 0 : i32
      %dma_wait3A_30 = tpu.memref_slice %arg2[%run_scoped3A_1, %add3A, %dma_wait3A, %dma_wait3A_29] : memref<2x32x80x125xi32, #tpu.memory_space<hbm>> -> memref<1x1x80x125xi32, #tpu.memory_space<hbm>>
      %dma_wait3A_31 = tpu.memref_squeeze %dma_wait3A_30 : memref<1x1x80x125xi32, #tpu.memory_space<hbm>> -> memref<80x125xi32, #tpu.memory_space<hbm>>
      %dma_wait3A_32 = arith.constant 0 : i32
      %dma_wait3A_33 = arith.constant 0 : i32
      %dma_wait3A_34 = tpu.memref_slice %arg2[%run_scoped3A_1, %add3A, %dma_wait3A_32, %dma_wait3A_33] : memref<2x32x80x125xi32, #tpu.memory_space<hbm>> -> memref<1x1x80x125xi32, #tpu.memory_space<hbm>>
      %dma_wait3A_35 = tpu.memref_squeeze %dma_wait3A_34 : memref<1x1x80x125xi32, #tpu.memory_space<hbm>> -> memref<80x125xi32, #tpu.memory_space<hbm>>
      tpu.wait_dma2 semaphore(%run_scoped3A_21 : memref<!tpu.dma_semaphore, #tpu.memory_space<semaphore_mem>>) src(%dma_wait3A_35 : memref<80x125xi32, #tpu.memory_space<hbm>>) dst(%arg7 : memref<80x125xi32, #tpu.memory_space<vmem>>)
      tpu.yield
    }) : () -> ()
    %mul3A_2 = arith.constant 640 : i32
    %mul3A_3 = arith.muli %arg1, %mul3A_2 : i32
    "tpu.region"() ({
      %run_scoped3A_21 = tpu.sem_alloc : memref<!tpu.dma_semaphore, #tpu.memory_space<semaphore_mem>>
      %dma_start3A = tpu.memref_slice %arg9[%mul3A_3] : memref<10240xf32, #tpu.memory_space<vmem_shared>> -> memref<640xf32, #tpu.memory_space<vmem_shared>>
      tpu.enqueue_dma source(%arg4 : memref<640xf32, #tpu.memory_space<hbm>>) target(%dma_start3A : memref<640xf32, #tpu.memory_space<vmem_shared>>) target_semaphore(%run_scoped3A_21 : memref<!tpu.dma_semaphore, #tpu.memory_space<semaphore_mem>>)
      %dma_wait3A = tpu.memref_slice %arg9[%mul3A_3] : memref<10240xf32, #tpu.memory_space<vmem_shared>> -> memref<640xf32, #tpu.memory_space<vmem_shared>>
      tpu.wait_dma2 semaphore(%run_scoped3A_21 : memref<!tpu.dma_semaphore, #tpu.memory_space<semaphore_mem>>) src(%arg4 : memref<640xf32, #tpu.memory_space<hbm>>) dst(%dma_wait3A : memref<640xf32, #tpu.memory_space<vmem_shared>>)
      tpu.yield
    }) : () -> ()
    %mul3A_4 = arith.constant 640 : i32
    %mul3A_5 = arith.muli %arg1, %mul3A_4 : i32
    "tpu.region"() ({
      %run_scoped3A_21 = tpu.sem_alloc : memref<!tpu.dma_semaphore, #tpu.memory_space<semaphore_mem>>
      %dma_start3A = tpu.memref_slice %arg10[%mul3A_5] : memref<10240xf32, #tpu.memory_space<vmem_shared>> -> memref<640xf32, #tpu.memory_space<vmem_shared>>
      tpu.enqueue_dma source(%arg4 : memref<640xf32, #tpu.memory_space<hbm>>) target(%dma_start3A : memref<640xf32, #tpu.memory_space<vmem_shared>>) target_semaphore(%run_scoped3A_21 : memref<!tpu.dma_semaphore, #tpu.memory_space<semaphore_mem>>)
      %dma_wait3A = tpu.memref_slice %arg10[%mul3A_5] : memref<10240xf32, #tpu.memory_space<vmem_shared>> -> memref<640xf32, #tpu.memory_space<vmem_shared>>
      tpu.wait_dma2 semaphore(%run_scoped3A_21 : memref<!tpu.dma_semaphore, #tpu.memory_space<semaphore_mem>>) src(%arg4 : memref<640xf32, #tpu.memory_space<hbm>>) dst(%dma_wait3A : memref<640xf32, #tpu.memory_space<vmem_shared>>)
      tpu.yield
    }) : () -> ()
    %barrier3A = arith.constant 0 : index
    tpu.barrier barrier_id(%barrier3A)
    %scan3A = arith.constant 0 : i32
    %scan3A_6 = arith.constant 20 : i32
    %scan3A_7 = arith.addi %scan3A, %scan3A_6 : i32
    %scan3A_8 = arith.constant 1 : i32
    scf.for %scan3A_21 = %scan3A to %scan3A_7 step %scan3A_8  : i32 {
      %mul3A_22 = arith.constant 4 : i32
      %mul3A_23 = arith.muli %scan3A_21, %mul3A_22 : i32
      %add3A_24 = arith.constant 0 : i32
      %add3A_25 = arith.addi %mul3A_23, %add3A_24 : i32
      %dma_start3A = arith.constant 0 : i32
      %dma_start3A_26 = tpu.memref_slice %arg6[%add3A_25, %dma_start3A] : memref<80x125xi32, #tpu.memory_space<vmem>> -> memref<1x125xi32, #tpu.memory_space<vmem>>
      %dma_start3A_27 = tpu.memref_squeeze %dma_start3A_26 : memref<1x125xi32, #tpu.memory_space<vmem>> -> memref<125xi32, #tpu.memory_space<vmem>>
      %dma_start3A_28 = arith.constant 0 : i32
      %dma_start3A_29 = tpu.memref_slice %arg9[%dma_start3A_28] : memref<10240xf32, #tpu.memory_space<vmem_shared>> -> memref<10240xf32, #tpu.memory_space<vmem_shared>>
      tpu.enqueue_indirect_dma source(%arg8 : memref<125xf32, #tpu.memory_space<vmem>>) target(%dma_start3A_29 : memref<10240xf32, #tpu.memory_space<vmem_shared>>) offsets(%dma_start3A_27 : memref<125xi32, #tpu.memory_space<vmem>>) semaphore(%arg11 : memref<!tpu.dma_semaphore, #tpu.memory_space<semaphore_mem>>) {add = true}
      %dma_start3A_30 = arith.constant 0 : i32
      %dma_start3A_31 = tpu.memref_slice %arg7[%add3A_25, %dma_start3A_30] : memref<80x125xi32, #tpu.memory_space<vmem>> -> memref<1x125xi32, #tpu.memory_space<vmem>>
      %dma_start3A_32 = tpu.memref_squeeze %dma_start3A_31 : memref<1x125xi32, #tpu.memory_space<vmem>> -> memref<125xi32, #tpu.memory_space<vmem>>
      %dma_start3A_33 = arith.constant 0 : i32
      %dma_start3A_34 = tpu.memref_slice %arg10[%dma_start3A_33] : memref<10240xf32, #tpu.memory_space<vmem_shared>> -> memref<10240xf32, #tpu.memory_space<vmem_shared>>
      tpu.enqueue_indirect_dma source(%arg8 : memref<125xf32, #tpu.memory_space<vmem>>) target(%dma_start3A_34 : memref<10240xf32, #tpu.memory_space<vmem_shared>>) offsets(%dma_start3A_32 : memref<125xi32, #tpu.memory_space<vmem>>) semaphore(%arg15 : memref<!tpu.dma_semaphore, #tpu.memory_space<semaphore_mem>>) {add = true}
      %mul3A_35 = arith.constant 4 : i32
      %mul3A_36 = arith.muli %scan3A_21, %mul3A_35 : i32
      %add3A_37 = arith.constant 1 : i32
      %add3A_38 = arith.addi %mul3A_36, %add3A_37 : i32
      %dma_start3A_39 = arith.constant 0 : i32
      %dma_start3A_40 = tpu.memref_slice %arg6[%add3A_38, %dma_start3A_39] : memref<80x125xi32, #tpu.memory_space<vmem>> -> memref<1x125xi32, #tpu.memory_space<vmem>>
      %dma_start3A_41 = tpu.memref_squeeze %dma_start3A_40 : memref<1x125xi32, #tpu.memory_space<vmem>> -> memref<125xi32, #tpu.memory_space<vmem>>
      %dma_start3A_42 = arith.constant 0 : i32
      %dma_start3A_43 = tpu.memref_slice %arg9[%dma_start3A_42] : memref<10240xf32, #tpu.memory_space<vmem_shared>> -> memref<10240xf32, #tpu.memory_space<vmem_shared>>
      tpu.enqueue_indirect_dma source(%arg8 : memref<125xf32, #tpu.memory_space<vmem>>) target(%dma_start3A_43 : memref<10240xf32, #tpu.memory_space<vmem_shared>>) offsets(%dma_start3A_41 : memref<125xi32, #tpu.memory_space<vmem>>) semaphore(%arg12 : memref<!tpu.dma_semaphore, #tpu.memory_space<semaphore_mem>>) {add = true}
      %dma_start3A_44 = arith.constant 0 : i32
      %dma_start3A_45 = tpu.memref_slice %arg7[%add3A_38, %dma_start3A_44] : memref<80x125xi32, #tpu.memory_space<vmem>> -> memref<1x125xi32, #tpu.memory_space<vmem>>
      %dma_start3A_46 = tpu.memref_squeeze %dma_start3A_45 : memref<1x125xi32, #tpu.memory_space<vmem>> -> memref<125xi32, #tpu.memory_space<vmem>>
      %dma_start3A_47 = arith.constant 0 : i32
      %dma_start3A_48 = tpu.memref_slice %arg10[%dma_start3A_47] : memref<10240xf32, #tpu.memory_space<vmem_shared>> -> memref<10240xf32, #tpu.memory_space<vmem_shared>>
      tpu.enqueue_indirect_dma source(%arg8 : memref<125xf32, #tpu.memory_space<vmem>>) target(%dma_start3A_48 : memref<10240xf32, #tpu.memory_space<vmem_shared>>) offsets(%dma_start3A_46 : memref<125xi32, #tpu.memory_space<vmem>>) semaphore(%arg16 : memref<!tpu.dma_semaphore, #tpu.memory_space<semaphore_mem>>) {add = true}
      %mul3A_49 = arith.constant 4 : i32
      %mul3A_50 = arith.muli %scan3A_21, %mul3A_49 : i32
      %add3A_51 = arith.constant 2 : i32
      %add3A_52 = arith.addi %mul3A_50, %add3A_51 : i32
      %dma_start3A_53 = arith.constant 0 : i32
      %dma_start3A_54 = tpu.memref_slice %arg6[%add3A_52, %dma_start3A_53] : memref<80x125xi32, #tpu.memory_space<vmem>> -> memref<1x125xi32, #tpu.memory_space<vmem>>
      %dma_start3A_55 = tpu.memref_squeeze %dma_start3A_54 : memref<1x125xi32, #tpu.memory_space<vmem>> -> memref<125xi32, #tpu.memory_space<vmem>>
      %dma_start3A_56 = arith.constant 0 : i32
      %dma_start3A_57 = tpu.memref_slice %arg9[%dma_start3A_56] : memref<10240xf32, #tpu.memory_space<vmem_shared>> -> memref<10240xf32, #tpu.memory_space<vmem_shared>>
      tpu.enqueue_indirect_dma source(%arg8 : memref<125xf32, #tpu.memory_space<vmem>>) target(%dma_start3A_57 : memref<10240xf32, #tpu.memory_space<vmem_shared>>) offsets(%dma_start3A_55 : memref<125xi32, #tpu.memory_space<vmem>>) semaphore(%arg13 : memref<!tpu.dma_semaphore, #tpu.memory_space<semaphore_mem>>) {add = true}
      %dma_start3A_58 = arith.constant 0 : i32
      %dma_start3A_59 = tpu.memref_slice %arg7[%add3A_52, %dma_start3A_58] : memref<80x125xi32, #tpu.memory_space<vmem>> -> memref<1x125xi32, #tpu.memory_space<vmem>>
      %dma_start3A_60 = tpu.memref_squeeze %dma_start3A_59 : memref<1x125xi32, #tpu.memory_space<vmem>> -> memref<125xi32, #tpu.memory_space<vmem>>
      %dma_start3A_61 = arith.constant 0 : i32
      %dma_start3A_62 = tpu.memref_slice %arg10[%dma_start3A_61] : memref<10240xf32, #tpu.memory_space<vmem_shared>> -> memref<10240xf32, #tpu.memory_space<vmem_shared>>
      tpu.enqueue_indirect_dma source(%arg8 : memref<125xf32, #tpu.memory_space<vmem>>) target(%dma_start3A_62 : memref<10240xf32, #tpu.memory_space<vmem_shared>>) offsets(%dma_start3A_60 : memref<125xi32, #tpu.memory_space<vmem>>) semaphore(%arg17 : memref<!tpu.dma_semaphore, #tpu.memory_space<semaphore_mem>>) {add = true}
      %mul3A_63 = arith.constant 4 : i32
      %mul3A_64 = arith.muli %scan3A_21, %mul3A_63 : i32
      %add3A_65 = arith.constant 3 : i32
      %add3A_66 = arith.addi %mul3A_64, %add3A_65 : i32
      %dma_start3A_67 = arith.constant 0 : i32
      %dma_start3A_68 = tpu.memref_slice %arg6[%add3A_66, %dma_start3A_67] : memref<80x125xi32, #tpu.memory_space<vmem>> -> memref<1x125xi32, #tpu.memory_space<vmem>>
      %dma_start3A_69 = tpu.memref_squeeze %dma_start3A_68 : memref<1x125xi32, #tpu.memory_space<vmem>> -> memref<125xi32, #tpu.memory_space<vmem>>
      %dma_start3A_70 = arith.constant 0 : i32
      %dma_start3A_71 = tpu.memref_slice %arg9[%dma_start3A_70] : memref<10240xf32, #tpu.memory_space<vmem_shared>> -> memref<10240xf32, #tpu.memory_space<vmem_shared>>
      tpu.enqueue_indirect_dma source(%arg8 : memref<125xf32, #tpu.memory_space<vmem>>) target(%dma_start3A_71 : memref<10240xf32, #tpu.memory_space<vmem_shared>>) offsets(%dma_start3A_69 : memref<125xi32, #tpu.memory_space<vmem>>) semaphore(%arg14 : memref<!tpu.dma_semaphore, #tpu.memory_space<semaphore_mem>>) {add = true}
      %dma_start3A_72 = arith.constant 0 : i32
      %dma_start3A_73 = tpu.memref_slice %arg7[%add3A_66, %dma_start3A_72] : memref<80x125xi32, #tpu.memory_space<vmem>> -> memref<1x125xi32, #tpu.memory_space<vmem>>
      %dma_start3A_74 = tpu.memref_squeeze %dma_start3A_73 : memref<1x125xi32, #tpu.memory_space<vmem>> -> memref<125xi32, #tpu.memory_space<vmem>>
      %dma_start3A_75 = arith.constant 0 : i32
      %dma_start3A_76 = tpu.memref_slice %arg10[%dma_start3A_75] : memref<10240xf32, #tpu.memory_space<vmem_shared>> -> memref<10240xf32, #tpu.memory_space<vmem_shared>>
      tpu.enqueue_indirect_dma source(%arg8 : memref<125xf32, #tpu.memory_space<vmem>>) target(%dma_start3A_76 : memref<10240xf32, #tpu.memory_space<vmem_shared>>) offsets(%dma_start3A_74 : memref<125xi32, #tpu.memory_space<vmem>>) semaphore(%arg18 : memref<!tpu.dma_semaphore, #tpu.memory_space<semaphore_mem>>) {add = true}
      %dma_wait3A = arith.constant 0 : i32
      %dma_wait3A_77 = tpu.memref_slice %arg6[%add3A_25, %dma_wait3A] : memref<80x125xi32, #tpu.memory_space<vmem>> -> memref<1x125xi32, #tpu.memory_space<vmem>>
      %dma_wait3A_78 = tpu.memref_squeeze %dma_wait3A_77 : memref<1x125xi32, #tpu.memory_space<vmem>> -> memref<125xi32, #tpu.memory_space<vmem>>
      %dma_wait3A_79 = arith.constant 0 : i32
      %dma_wait3A_80 = tpu.memref_slice %arg9[%dma_wait3A_79] : memref<10240xf32, #tpu.memory_space<vmem_shared>> -> memref<10240xf32, #tpu.memory_space<vmem_shared>>
      tpu.wait_indirect_dma semaphore(%arg11 : memref<!tpu.dma_semaphore, #tpu.memory_space<semaphore_mem>>) src(%arg8 : memref<125xf32, #tpu.memory_space<vmem>>) dst(%dma_wait3A_80 : memref<10240xf32, #tpu.memory_space<vmem_shared>>)
      %dma_wait3A_81 = arith.constant 0 : i32
      %dma_wait3A_82 = tpu.memref_slice %arg7[%add3A_25, %dma_wait3A_81] : memref<80x125xi32, #tpu.memory_space<vmem>> -> memref<1x125xi32, #tpu.memory_space<vmem>>
      %dma_wait3A_83 = tpu.memref_squeeze %dma_wait3A_82 : memref<1x125xi32, #tpu.memory_space<vmem>> -> memref<125xi32, #tpu.memory_space<vmem>>
      %dma_wait3A_84 = arith.constant 0 : i32
      %dma_wait3A_85 = tpu.memref_slice %arg10[%dma_wait3A_84] : memref<10240xf32, #tpu.memory_space<vmem_shared>> -> memref<10240xf32, #tpu.memory_space<vmem_shared>>
      tpu.wait_indirect_dma semaphore(%arg15 : memref<!tpu.dma_semaphore, #tpu.memory_space<semaphore_mem>>) src(%arg8 : memref<125xf32, #tpu.memory_space<vmem>>) dst(%dma_wait3A_85 : memref<10240xf32, #tpu.memory_space<vmem_shared>>)
      %dma_wait3A_86 = arith.constant 0 : i32
      %dma_wait3A_87 = tpu.memref_slice %arg6[%add3A_38, %dma_wait3A_86] : memref<80x125xi32, #tpu.memory_space<vmem>> -> memref<1x125xi32, #tpu.memory_space<vmem>>
      %dma_wait3A_88 = tpu.memref_squeeze %dma_wait3A_87 : memref<1x125xi32, #tpu.memory_space<vmem>> -> memref<125xi32, #tpu.memory_space<vmem>>
      %dma_wait3A_89 = arith.constant 0 : i32
      %dma_wait3A_90 = tpu.memref_slice %arg9[%dma_wait3A_89] : memref<10240xf32, #tpu.memory_space<vmem_shared>> -> memref<10240xf32, #tpu.memory_space<vmem_shared>>
      tpu.wait_indirect_dma semaphore(%arg12 : memref<!tpu.dma_semaphore, #tpu.memory_space<semaphore_mem>>) src(%arg8 : memref<125xf32, #tpu.memory_space<vmem>>) dst(%dma_wait3A_90 : memref<10240xf32, #tpu.memory_space<vmem_shared>>)
      %dma_wait3A_91 = arith.constant 0 : i32
      %dma_wait3A_92 = tpu.memref_slice %arg7[%add3A_38, %dma_wait3A_91] : memref<80x125xi32, #tpu.memory_space<vmem>> -> memref<1x125xi32, #tpu.memory_space<vmem>>
      %dma_wait3A_93 = tpu.memref_squeeze %dma_wait3A_92 : memref<1x125xi32, #tpu.memory_space<vmem>> -> memref<125xi32, #tpu.memory_space<vmem>>
      %dma_wait3A_94 = arith.constant 0 : i32
      %dma_wait3A_95 = tpu.memref_slice %arg10[%dma_wait3A_94] : memref<10240xf32, #tpu.memory_space<vmem_shared>> -> memref<10240xf32, #tpu.memory_space<vmem_shared>>
      tpu.wait_indirect_dma semaphore(%arg16 : memref<!tpu.dma_semaphore, #tpu.memory_space<semaphore_mem>>) src(%arg8 : memref<125xf32, #tpu.memory_space<vmem>>) dst(%dma_wait3A_95 : memref<10240xf32, #tpu.memory_space<vmem_shared>>)
      %dma_wait3A_96 = arith.constant 0 : i32
      %dma_wait3A_97 = tpu.memref_slice %arg6[%add3A_52, %dma_wait3A_96] : memref<80x125xi32, #tpu.memory_space<vmem>> -> memref<1x125xi32, #tpu.memory_space<vmem>>
      %dma_wait3A_98 = tpu.memref_squeeze %dma_wait3A_97 : memref<1x125xi32, #tpu.memory_space<vmem>> -> memref<125xi32, #tpu.memory_space<vmem>>
      %dma_wait3A_99 = arith.constant 0 : i32
      %dma_wait3A_100 = tpu.memref_slice %arg9[%dma_wait3A_99] : memref<10240xf32, #tpu.memory_space<vmem_shared>> -> memref<10240xf32, #tpu.memory_space<vmem_shared>>
      tpu.wait_indirect_dma semaphore(%arg13 : memref<!tpu.dma_semaphore, #tpu.memory_space<semaphore_mem>>) src(%arg8 : memref<125xf32, #tpu.memory_space<vmem>>) dst(%dma_wait3A_100 : memref<10240xf32, #tpu.memory_space<vmem_shared>>)
      %dma_wait3A_101 = arith.constant 0 : i32
      %dma_wait3A_102 = tpu.memref_slice %arg7[%add3A_52, %dma_wait3A_101] : memref<80x125xi32, #tpu.memory_space<vmem>> -> memref<1x125xi32, #tpu.memory_space<vmem>>
      %dma_wait3A_103 = tpu.memref_squeeze %dma_wait3A_102 : memref<1x125xi32, #tpu.memory_space<vmem>> -> memref<125xi32, #tpu.memory_space<vmem>>
      %dma_wait3A_104 = arith.constant 0 : i32
      %dma_wait3A_105 = tpu.memref_slice %arg10[%dma_wait3A_104] : memref<10240xf32, #tpu.memory_space<vmem_shared>> -> memref<10240xf32, #tpu.memory_space<vmem_shared>>
      tpu.wait_indirect_dma semaphore(%arg17 : memref<!tpu.dma_semaphore, #tpu.memory_space<semaphore_mem>>) src(%arg8 : memref<125xf32, #tpu.memory_space<vmem>>) dst(%dma_wait3A_105 : memref<10240xf32, #tpu.memory_space<vmem_shared>>)
      %dma_wait3A_106 = arith.constant 0 : i32
      %dma_wait3A_107 = tpu.memref_slice %arg6[%add3A_66, %dma_wait3A_106] : memref<80x125xi32, #tpu.memory_space<vmem>> -> memref<1x125xi32, #tpu.memory_space<vmem>>
      %dma_wait3A_108 = tpu.memref_squeeze %dma_wait3A_107 : memref<1x125xi32, #tpu.memory_space<vmem>> -> memref<125xi32, #tpu.memory_space<vmem>>
      %dma_wait3A_109 = arith.constant 0 : i32
      %dma_wait3A_110 = tpu.memref_slice %arg9[%dma_wait3A_109] : memref<10240xf32, #tpu.memory_space<vmem_shared>> -> memref<10240xf32, #tpu.memory_space<vmem_shared>>
      tpu.wait_indirect_dma semaphore(%arg14 : memref<!tpu.dma_semaphore, #tpu.memory_space<semaphore_mem>>) src(%arg8 : memref<125xf32, #tpu.memory_space<vmem>>) dst(%dma_wait3A_110 : memref<10240xf32, #tpu.memory_space<vmem_shared>>)
      %dma_wait3A_111 = arith.constant 0 : i32
      %dma_wait3A_112 = tpu.memref_slice %arg7[%add3A_66, %dma_wait3A_111] : memref<80x125xi32, #tpu.memory_space<vmem>> -> memref<1x125xi32, #tpu.memory_space<vmem>>
      %dma_wait3A_113 = tpu.memref_squeeze %dma_wait3A_112 : memref<1x125xi32, #tpu.memory_space<vmem>> -> memref<125xi32, #tpu.memory_space<vmem>>
      %dma_wait3A_114 = arith.constant 0 : i32
      %dma_wait3A_115 = tpu.memref_slice %arg10[%dma_wait3A_114] : memref<10240xf32, #tpu.memory_space<vmem_shared>> -> memref<10240xf32, #tpu.memory_space<vmem_shared>>
      tpu.wait_indirect_dma semaphore(%arg18 : memref<!tpu.dma_semaphore, #tpu.memory_space<semaphore_mem>>) src(%arg8 : memref<125xf32, #tpu.memory_space<vmem>>) dst(%dma_wait3A_115 : memref<10240xf32, #tpu.memory_space<vmem_shared>>)
    }
    %scan3A_9 = arith.constant 20 : i32
    %barrier3A_10 = arith.constant 0 : index
    tpu.barrier barrier_id(%barrier3A_10)
    %mul3A_11 = arith.constant 640 : i32
    %mul3A_12 = arith.muli %arg1, %mul3A_11 : i32
    %mul3A_13 = arith.constant 640 : i32
    %mul3A_14 = arith.muli %arg1, %mul3A_13 : i32
    %run_scoped3A_15 = arith.constant 0 : i32
    "tpu.region"() ({
      %run_scoped3A_21 = tpu.sem_alloc : memref<!tpu.dma_semaphore, #tpu.memory_space<semaphore_mem>>
      %dma_start3A = tpu.memref_slice %arg5[%arg0, %run_scoped3A_15, %mul3A_14] : memref<2x2x10240xf32, #tpu.memory_space<hbm>> -> memref<1x1x640xf32, #tpu.memory_space<hbm>>
      %dma_start3A_22 = tpu.memref_squeeze %dma_start3A : memref<1x1x640xf32, #tpu.memory_space<hbm>> -> memref<640xf32, #tpu.memory_space<hbm>>
      %dma_start3A_23 = tpu.memref_slice %arg9[%mul3A_12] : memref<10240xf32, #tpu.memory_space<vmem_shared>> -> memref<640xf32, #tpu.memory_space<vmem_shared>>
      tpu.enqueue_dma source(%dma_start3A_23 : memref<640xf32, #tpu.memory_space<vmem_shared>>) target(%dma_start3A_22 : memref<640xf32, #tpu.memory_space<hbm>>) target_semaphore(%run_scoped3A_21 : memref<!tpu.dma_semaphore, #tpu.memory_space<semaphore_mem>>)
      %dma_wait3A = tpu.memref_slice %arg5[%arg0, %run_scoped3A_15, %mul3A_14] : memref<2x2x10240xf32, #tpu.memory_space<hbm>> -> memref<1x1x640xf32, #tpu.memory_space<hbm>>
      %dma_wait3A_24 = tpu.memref_squeeze %dma_wait3A : memref<1x1x640xf32, #tpu.memory_space<hbm>> -> memref<640xf32, #tpu.memory_space<hbm>>
      %dma_wait3A_25 = tpu.memref_slice %arg9[%mul3A_12] : memref<10240xf32, #tpu.memory_space<vmem_shared>> -> memref<640xf32, #tpu.memory_space<vmem_shared>>
      tpu.wait_dma2 semaphore(%run_scoped3A_21 : memref<!tpu.dma_semaphore, #tpu.memory_space<semaphore_mem>>) src(%dma_wait3A_25 : memref<640xf32, #tpu.memory_space<vmem_shared>>) dst(%dma_wait3A_24 : memref<640xf32, #tpu.memory_space<hbm>>)
      tpu.yield
    }) : () -> ()
    %mul3A_16 = arith.constant 640 : i32
    %mul3A_17 = arith.muli %arg1, %mul3A_16 : i32
    %mul3A_18 = arith.constant 640 : i32
    %mul3A_19 = arith.muli %arg1, %mul3A_18 : i32
    %run_scoped3A_20 = arith.constant 1 : i32
    "tpu.region"() ({
      %run_scoped3A_21 = tpu.sem_alloc : memref<!tpu.dma_semaphore, #tpu.memory_space<semaphore_mem>>
      %dma_start3A = tpu.memref_slice %arg5[%arg0, %run_scoped3A_20, %mul3A_19] : memref<2x2x10240xf32, #tpu.memory_space<hbm>> -> memref<1x1x640xf32, #tpu.memory_space<hbm>>
      %dma_start3A_22 = tpu.memref_squeeze %dma_start3A : memref<1x1x640xf32, #tpu.memory_space<hbm>> -> memref<640xf32, #tpu.memory_space<hbm>>
      %dma_start3A_23 = tpu.memref_slice %arg10[%mul3A_17] : memref<10240xf32, #tpu.memory_space<vmem_shared>> -> memref<640xf32, #tpu.memory_space<vmem_shared>>
      tpu.enqueue_dma source(%dma_start3A_23 : memref<640xf32, #tpu.memory_space<vmem_shared>>) target(%dma_start3A_22 : memref<640xf32, #tpu.memory_space<hbm>>) target_semaphore(%run_scoped3A_21 : memref<!tpu.dma_semaphore, #tpu.memory_space<semaphore_mem>>)
      %dma_wait3A = tpu.memref_slice %arg5[%arg0, %run_scoped3A_20, %mul3A_19] : memref<2x2x10240xf32, #tpu.memory_space<hbm>> -> memref<1x1x640xf32, #tpu.memory_space<hbm>>
      %dma_wait3A_24 = tpu.memref_squeeze %dma_wait3A : memref<1x1x640xf32, #tpu.memory_space<hbm>> -> memref<640xf32, #tpu.memory_space<hbm>>
      %dma_wait3A_25 = tpu.memref_slice %arg10[%mul3A_17] : memref<10240xf32, #tpu.memory_space<vmem_shared>> -> memref<640xf32, #tpu.memory_space<vmem_shared>>
      tpu.wait_dma2 semaphore(%run_scoped3A_21 : memref<!tpu.dma_semaphore, #tpu.memory_space<semaphore_mem>>) src(%dma_wait3A_25 : memref<640xf32, #tpu.memory_space<vmem_shared>>) dst(%dma_wait3A_24 : memref<640xf32, #tpu.memory_space<hbm>>)
      tpu.yield
    }) : () -> ()
    return
  }
}

module attributes {stable_mosaic.version = 14 : i64} {
  func.func @body(%arg0: i32, %arg1: memref<2000x128xf32, #tpu.memory_space<vmem>>, %arg2: memref<2000x4xf32, #tpu.memory_space<vmem>>, %arg3: memref<128x128xf32, #tpu.memory_space<vmem>>, %arg4: memref<2000x128xf32, #tpu.memory_space<vmem>>) attributes {dimension_semantics = [#tpu.dimension_semantics<arbitrary>], iteration_bounds = array<i64: 5>, scalar_prefetch = 0 : i64, scratch_operands = 0 : i64, tpu.core_type = #tpu.core_type<tc>, window_params = [{transform_indices = @transform_0, window_bounds = array<i64: 2000, 128>}, {transform_indices = @transform_1, window_bounds = array<i64: 2000, 4>}, {pipeline_mode = #tpu.pipeline_mode<synchronous>, transform_indices = @transform_2, window_bounds = array<i64: 128, 128>}, {transform_indices = @transform_3, window_bounds = array<i64: 2000, 128>}]} {
    %get3A = arith.constant 0 : index
    %get3A_0 = arith.constant 0 : index
    %get3A_1 = vector.load %arg2[%get3A, %get3A_0] : memref<2000x4xf32, #tpu.memory_space<vmem>>, vector<2000x4xf32>
    %slice3A = vector.extract_strided_slice %get3A_1 {offsets = [0, 0], sizes = [2000, 1], strides = [1, 1]} : vector<2000x4xf32> to vector<2000x1xf32>
    %slice3A_2 = vector.extract_strided_slice %get3A_1 {offsets = [0, 2], sizes = [2000, 1], strides = [1, 1]} : vector<2000x4xf32> to vector<2000x1xf32>
    %add3A = arith.addf %slice3A, %slice3A_2 : vector<2000x1xf32>
    %max3A = arith.constant 1.000000e+00 : f32
    %max3A_3 = vector.broadcast %max3A : f32 to vector<2000x1xf32>
    %max3A_4 = arith.maximumf %add3A, %max3A_3 : vector<2000x1xf32>
    %rsqrt3A = math.rsqrt %max3A_4 : vector<2000x1xf32>
    %get3A_5 = arith.constant 0 : index
    %get3A_6 = arith.constant 0 : index
    %get3A_7 = vector.load %arg1[%get3A_5, %get3A_6] : memref<2000x128xf32, #tpu.memory_space<vmem>>, vector<2000x128xf32>
    %mul3A = vector.broadcast %rsqrt3A : vector<2000x1xf32> to vector<2000x128xf32>
    %mul3A_8 = arith.mulf %get3A_7, %mul3A : vector<2000x128xf32>
    %get3A_9 = arith.constant 0 : index
    %get3A_10 = arith.constant 0 : index
    %get3A_11 = vector.load %arg3[%get3A_9, %get3A_10] : memref<128x128xf32, #tpu.memory_space<vmem>>, vector<128x128xf32>
    %dot_general3A = arith.constant dense<0.000000e+00> : vector<2000x128xf32>
    %dot_general3A_12 = tpu.matmul %mul3A_8, %get3A_11, %dot_general3A {dimension_numbers = #tpu.dot_dimension_numbers<[1], [0], [0], [1], [0, 0, 1, 1], [], []>, transpose_lhs_hint = false} : vector<2000x128xf32>, vector<128x128xf32>, vector<2000x128xf32> -> vector<2000x128xf32>
    %swap3A = arith.constant 0 : index
    %swap3A_13 = arith.constant 0 : index
    %swap3A_14 = vector.load %arg4[%swap3A, %swap3A_13] : memref<2000x128xf32, #tpu.memory_space<vmem>>, vector<2000x128xf32>
    tpu.vector_store %arg4[%swap3A, %swap3A_13], %dot_general3A_12 {strides = array<i32>} : memref<2000x128xf32, #tpu.memory_space<vmem>>, vector<2000x128xf32>,
    return
  }
  func.func @transform_0(%arg0: i32) -> (i32, i32) {
    %c0_i32 = arith.constant 0 : i32
    %c0_i32_0 = arith.constant 0 : i32
    return %arg0, %c0_i32 : i32, i32
  }
  func.func @transform_1(%arg0: i32) -> (i32, i32) {
    %c0_i32 = arith.constant 0 : i32
    %c0_i32_0 = arith.constant 0 : i32
    return %arg0, %c0_i32 : i32, i32
  }
  func.func @transform_2(%arg0: i32) -> (i32, i32) {
    %c0_i32 = arith.constant 0 : i32
    %c0_i32_0 = arith.constant 0 : i32
    %c0_i32_1 = arith.constant 0 : i32
    return %c0_i32, %c0_i32_0 : i32, i32
  }
  func.func @transform_3(%arg0: i32) -> (i32, i32) {
    %c0_i32 = arith.constant 0 : i32
    %c0_i32_0 = arith.constant 0 : i32
    return %arg0, %c0_i32 : i32, i32
  }
}

module attributes {stable_mosaic.version = 14 : i64} {
  func.func @body(%arg0: i32, %arg1: memref<2x2000x128xf32, #tpu.memory_space<vmem>>, %arg2: memref<2000x4xf32, #tpu.memory_space<vmem>>, %arg3: memref<1x128xf32, #tpu.memory_space<vmem>>, %arg4: memref<128x64xf32, #tpu.memory_space<vmem>>, %arg5: memref<2000x64xf32, #tpu.memory_space<vmem>>) attributes {dimension_semantics = [#tpu.dimension_semantics<arbitrary>], iteration_bounds = array<i64: 5>, scalar_prefetch = 0 : i64, scratch_operands = 0 : i64, tpu.core_type = #tpu.core_type<tc>, window_params = [{transform_indices = @transform_0, window_bounds = array<i64: 2, 2000, 128>}, {transform_indices = @transform_1, window_bounds = array<i64: 2000, 4>}, {pipeline_mode = #tpu.pipeline_mode<synchronous>, transform_indices = @transform_2, window_bounds = array<i64: 1, 128>}, {pipeline_mode = #tpu.pipeline_mode<synchronous>, transform_indices = @transform_3, window_bounds = array<i64: 128, 64>}, {transform_indices = @transform_4, window_bounds = array<i64: 2000, 64>}]} {
    %get3A = arith.constant 0 : index
    %get3A_0 = arith.constant 0 : index
    %get3A_1 = vector.load %arg2[%get3A, %get3A_0] : memref<2000x4xf32, #tpu.memory_space<vmem>>, vector<2000x4xf32>
    %get3A_2 = arith.constant 0 : index
    %get3A_3 = arith.constant 0 : index
    %get3A_4 = arith.constant 0 : index
    %get3A_5 = vector.load %arg1[%get3A_2, %get3A_3, %get3A_4] : memref<2x2000x128xf32, #tpu.memory_space<vmem>>, vector<1x2000x128xf32>
    %get3A_6 = vector.shape_cast %get3A_5 : vector<1x2000x128xf32> to vector<2000x128xf32>
    %get3A_7 = arith.constant 1 : index
    %get3A_8 = arith.constant 0 : index
    %get3A_9 = arith.constant 0 : index
    %get3A_10 = vector.load %arg1[%get3A_7, %get3A_8, %get3A_9] : memref<2x2000x128xf32, #tpu.memory_space<vmem>>, vector<1x2000x128xf32>
    %get3A_11 = vector.shape_cast %get3A_10 : vector<1x2000x128xf32> to vector<2000x128xf32>
    %add3A = arith.addf %get3A_6, %get3A_11 : vector<2000x128xf32>
    %slice3A = vector.extract_strided_slice %get3A_1 {offsets = [0, 1], sizes = [2000, 1], strides = [1, 1]} : vector<2000x4xf32> to vector<2000x1xf32>
    %slice3A_12 = vector.extract_strided_slice %get3A_1 {offsets = [0, 3], sizes = [2000, 1], strides = [1, 1]} : vector<2000x4xf32> to vector<2000x1xf32>
    %add3A_13 = arith.addf %slice3A, %slice3A_12 : vector<2000x1xf32>
    %max3A = arith.constant 1.000000e+00 : f32
    %max3A_14 = vector.broadcast %max3A : f32 to vector<2000x1xf32>
    %max3A_15 = arith.maximumf %add3A_13, %max3A_14 : vector<2000x1xf32>
    %rsqrt3A = math.rsqrt %max3A_15 : vector<2000x1xf32>
    %mul3A = vector.broadcast %rsqrt3A : vector<2000x1xf32> to vector<2000x128xf32>
    %mul3A_16 = arith.mulf %add3A, %mul3A : vector<2000x128xf32>
    %get3A_17 = arith.constant 0 : index
    %get3A_18 = arith.constant 0 : index
    %get3A_19 = vector.load %arg3[%get3A_17, %get3A_18] : memref<1x128xf32, #tpu.memory_space<vmem>>, vector<1x128xf32>
    %add3A_20 = vector.broadcast %get3A_19 : vector<1x128xf32> to vector<2000x128xf32>
    %add3A_21 = arith.addf %mul3A_16, %add3A_20 : vector<2000x128xf32>
    %max3A_22 = arith.constant 0.000000e+00 : f32
    %max3A_23 = vector.broadcast %max3A_22 : f32 to vector<2000x128xf32>
    %max3A_24 = arith.maximumf %add3A_21, %max3A_23 : vector<2000x128xf32>
    %slice3A_25 = vector.extract_strided_slice %get3A_1 {offsets = [0, 0], sizes = [2000, 1], strides = [1, 1]} : vector<2000x4xf32> to vector<2000x1xf32>
    %slice3A_26 = vector.extract_strided_slice %get3A_1 {offsets = [0, 2], sizes = [2000, 1], strides = [1, 1]} : vector<2000x4xf32> to vector<2000x1xf32>
    %add3A_27 = arith.addf %slice3A_25, %slice3A_26 : vector<2000x1xf32>
    %max3A_28 = arith.constant 1.000000e+00 : f32
    %max3A_29 = vector.broadcast %max3A_28 : f32 to vector<2000x1xf32>
    %max3A_30 = arith.maximumf %add3A_27, %max3A_29 : vector<2000x1xf32>
    %rsqrt3A_31 = math.rsqrt %max3A_30 : vector<2000x1xf32>
    %mul3A_32 = vector.broadcast %rsqrt3A_31 : vector<2000x1xf32> to vector<2000x128xf32>
    %mul3A_33 = arith.mulf %max3A_24, %mul3A_32 : vector<2000x128xf32>
    %get3A_34 = arith.constant 0 : index
    %get3A_35 = arith.constant 0 : index
    %get3A_36 = vector.load %arg4[%get3A_34, %get3A_35] : memref<128x64xf32, #tpu.memory_space<vmem>>, vector<128x64xf32>
    %dot_general3A = arith.constant dense<0.000000e+00> : vector<2000x64xf32>
    %dot_general3A_37 = tpu.matmul %mul3A_33, %get3A_36, %dot_general3A {dimension_numbers = #tpu.dot_dimension_numbers<[1], [0], [0], [1], [0, 0, 1, 1], [], []>, transpose_lhs_hint = false} : vector<2000x128xf32>, vector<128x64xf32>, vector<2000x64xf32> -> vector<2000x64xf32>
    %swap3A = arith.constant 0 : index
    %swap3A_38 = arith.constant 0 : index
    %swap3A_39 = vector.load %arg5[%swap3A, %swap3A_38] : memref<2000x64xf32, #tpu.memory_space<vmem>>, vector<2000x64xf32>
    tpu.vector_store %arg5[%swap3A, %swap3A_38], %dot_general3A_37 {strides = array<i32>} : memref<2000x64xf32, #tpu.memory_space<vmem>>, vector<2000x64xf32>,
    return
  }
  func.func @transform_0(%arg0: i32) -> (i32, i32, i32) {
    %c0_i32 = arith.constant 0 : i32
    %c0_i32_0 = arith.constant 0 : i32
    %c0_i32_1 = arith.constant 0 : i32
    return %c0_i32, %arg0, %c0_i32_0 : i32, i32, i32
  }
  func.func @transform_1(%arg0: i32) -> (i32, i32) {
    %c0_i32 = arith.constant 0 : i32
    %c0_i32_0 = arith.constant 0 : i32
    return %arg0, %c0_i32 : i32, i32
  }
  func.func @transform_2(%arg0: i32) -> (i32, i32) {
    %c0_i32 = arith.constant 0 : i32
    %c0_i32_0 = arith.constant 0 : i32
    %c0_i32_1 = arith.constant 0 : i32
    return %c0_i32, %c0_i32_0 : i32, i32
  }
  func.func @transform_3(%arg0: i32) -> (i32, i32) {
    %c0_i32 = arith.constant 0 : i32
    %c0_i32_0 = arith.constant 0 : i32
    %c0_i32_1 = arith.constant 0 : i32
    return %c0_i32, %c0_i32_0 : i32, i32
  }
  func.func @transform_4(%arg0: i32) -> (i32, i32) {
    %c0_i32 = arith.constant 0 : i32
    %c0_i32_0 = arith.constant 0 : i32
    return %arg0, %c0_i32 : i32, i32
  }
}

module attributes {stable_mosaic.version = 14 : i64} {
  func.func @body(%arg0: i32, %arg1: memref<2x2000x64xf32, #tpu.memory_space<vmem>>, %arg2: memref<2000x4xf32, #tpu.memory_space<vmem>>, %arg3: memref<1x64xf32, #tpu.memory_space<vmem>>, %arg4: memref<2000x64xf32, #tpu.memory_space<vmem>>) attributes {dimension_semantics = [#tpu.dimension_semantics<arbitrary>], iteration_bounds = array<i64: 5>, scalar_prefetch = 0 : i64, scratch_operands = 0 : i64, tpu.core_type = #tpu.core_type<tc>, window_params = [{transform_indices = @transform_0, window_bounds = array<i64: 2, 2000, 64>}, {transform_indices = @transform_1, window_bounds = array<i64: 2000, 4>}, {pipeline_mode = #tpu.pipeline_mode<synchronous>, transform_indices = @transform_2, window_bounds = array<i64: 1, 64>}, {transform_indices = @transform_3, window_bounds = array<i64: 2000, 64>}]} {
    %get3A = arith.constant 0 : index
    %get3A_0 = arith.constant 0 : index
    %get3A_1 = arith.constant 0 : index
    %get3A_2 = vector.load %arg1[%get3A, %get3A_0, %get3A_1] : memref<2x2000x64xf32, #tpu.memory_space<vmem>>, vector<1x2000x64xf32>
    %get3A_3 = vector.shape_cast %get3A_2 : vector<1x2000x64xf32> to vector<2000x64xf32>
    %get3A_4 = arith.constant 1 : index
    %get3A_5 = arith.constant 0 : index
    %get3A_6 = arith.constant 0 : index
    %get3A_7 = vector.load %arg1[%get3A_4, %get3A_5, %get3A_6] : memref<2x2000x64xf32, #tpu.memory_space<vmem>>, vector<1x2000x64xf32>
    %get3A_8 = vector.shape_cast %get3A_7 : vector<1x2000x64xf32> to vector<2000x64xf32>
    %add3A = arith.addf %get3A_3, %get3A_8 : vector<2000x64xf32>
    %get3A_9 = arith.constant 0 : index
    %get3A_10 = arith.constant 0 : index
    %get3A_11 = vector.load %arg2[%get3A_9, %get3A_10] : memref<2000x4xf32, #tpu.memory_space<vmem>>, vector<2000x4xf32>
    %slice3A = vector.extract_strided_slice %get3A_11 {offsets = [0, 1], sizes = [2000, 1], strides = [1, 1]} : vector<2000x4xf32> to vector<2000x1xf32>
    %slice3A_12 = vector.extract_strided_slice %get3A_11 {offsets = [0, 3], sizes = [2000, 1], strides = [1, 1]} : vector<2000x4xf32> to vector<2000x1xf32>
    %add3A_13 = arith.addf %slice3A, %slice3A_12 : vector<2000x1xf32>
    %max3A = arith.constant 1.000000e+00 : f32
    %max3A_14 = vector.broadcast %max3A : f32 to vector<2000x1xf32>
    %max3A_15 = arith.maximumf %add3A_13, %max3A_14 : vector<2000x1xf32>
    %rsqrt3A = math.rsqrt %max3A_15 : vector<2000x1xf32>
    %mul3A = vector.broadcast %rsqrt3A : vector<2000x1xf32> to vector<2000x64xf32>
    %mul3A_16 = arith.mulf %add3A, %mul3A : vector<2000x64xf32>
    %get3A_17 = arith.constant 0 : index
    %get3A_18 = arith.constant 0 : index
    %get3A_19 = vector.load %arg3[%get3A_17, %get3A_18] : memref<1x64xf32, #tpu.memory_space<vmem>>, vector<1x64xf32>
    %add3A_20 = vector.broadcast %get3A_19 : vector<1x64xf32> to vector<2000x64xf32>
    %add3A_21 = arith.addf %mul3A_16, %add3A_20 : vector<2000x64xf32>
    %swap3A = arith.constant 0 : index
    %swap3A_22 = arith.constant 0 : index
    %swap3A_23 = vector.load %arg4[%swap3A, %swap3A_22] : memref<2000x64xf32, #tpu.memory_space<vmem>>, vector<2000x64xf32>
    tpu.vector_store %arg4[%swap3A, %swap3A_22], %add3A_21 {strides = array<i32>} : memref<2000x64xf32, #tpu.memory_space<vmem>>, vector<2000x64xf32>,
    return
  }
  func.func @transform_0(%arg0: i32) -> (i32, i32, i32) {
    %c0_i32 = arith.constant 0 : i32
    %c0_i32_0 = arith.constant 0 : i32
    %c0_i32_1 = arith.constant 0 : i32
    return %c0_i32, %arg0, %c0_i32_0 : i32, i32, i32
  }
  func.func @transform_1(%arg0: i32) -> (i32, i32) {
    %c0_i32 = arith.constant 0 : i32
    %c0_i32_0 = arith.constant 0 : i32
    return %arg0, %c0_i32 : i32, i32
  }
  func.func @transform_2(%arg0: i32) -> (i32, i32) {
    %c0_i32 = arith.constant 0 : i32
    %c0_i32_0 = arith.constant 0 : i32
    %c0_i32_1 = arith.constant 0 : i32
    return %c0_i32, %c0_i32_0 : i32, i32
  }
  func.func @transform_3(%arg0: i32) -> (i32, i32) {
    %c0_i32 = arith.constant 0 : i32
    %c0_i32_0 = arith.constant 0 : i32
    return %arg0, %c0_i32 : i32, i32
  }
}

</mosaic_0001>

<sc_bundles>
// kernel: kernel.11.cloned.1.call-start
scs
__scs_entry_jumppad:
0x0: {  	(pc) =	sbr.rel $0x88, $3  }
0x1: {  	(tag) =	ssettag $0x0;
	lr =	simm.s32 $0x1  }
0x2: {  	[smem:$0x3F9B] =	sst lr;
	_ =	strace $0xD0000000  }
0x3: {  	_ = 	snop  }
0x4: {  	_ = 	snop  }
0x5: {  	_ = 	snop  }
0x6: {  	_ = 	snop  }
0x7: {  	_ = 	snop  }
__scs_overlays_trampoline_lowered:
0x8: {  	[smem:$0x3FAA] =	sst s0  }
0x9: {  	[smem:$0x3FAB] =	sst s1  }
0xa: {  	[smem:$0x3FAC] =	sst s2  }
0xb: {  	[smem:$0x3FAD] =	sst s3  }
0xc: {  	[smem:$0x3FAE] =	sst s4  }
0xd: {  	[smem:$0x3FAF] =	sst s5  }
0xe: {  	[smem:$0x3FB0] =	sst s6  }
0xf: {  	[smem:$0x3FB1] =	sst s7  }
0x10: {  	[smem:$0x3FB2] =	sst s8  }
0x11: {  	[smem:$0x3FB3] =	sst s9;
	s0 =	simm.s32 @!p0 $0x0  }
0x12: {  	s1 =	sld [smem:$0x3F99];
	s0 =	simm.s32 @p0 $0x1  }
0x13: {  	[smem:$0x3FB4] =	sst s0;
	s0 =	simm.s32 @!p1 $0x0  }
0x14: {  	s2 =	sld [smem:$0x3F98];
	s0 =	simm.s32 @p1 $0x1  }
0x15: {  	[smem:$0x3FB5] =	sst s0;
	s0 =	simm.s32 @!p2 $0x0  }
0x16: {  	s3 =	sld [smem:$0x3FDB];
	s0 =	simm.s32 @p2 $0x1  }
0x17: {  	s4 =	simm.s32 $0x1BF5;
	[smem:$0x3FB7] =	sst s0  }
0x18: {  	s0 =	sld [smem:$0x3F9A];
	_ =	swait.ge [sflag:s4], $0x0  }
0x19: {  	s7 =	sld [smem:$0x3F9B]  }
0x1a: {  	s8 =	sadd.s32 $0xFFFFE003, lr  }
0x1b: {  	s9 =	sadd.s32 $0xFFFFFEF7, lr;
	s5 =	simm.s32 $0xFFFFFFFF;
	p2 =	slt.u32 s8, $0xFFFFF086  }
0x1c: {  	p1 =	slt.u32 s9, $0xF7A;
	s5 =	simm.s32 @!p2 $0x0  }
0x1d: {  	s5 =	simm.s32 @p1 $0x1;
	p0 =	seq.s32 s7, s2  }
0x1e: {  	s7 =	smul.u32 @!p0 $0xF7A, s2;
	p2 =	seq.s32 @!p0 s5, $0x0  }
0x1f: {  	s9 =	smul.u32 $0xF7A, s1;
	s8 =	simm.s32 @!p0 $0x1BF5;
	p2 =	por !p2, p0  }
0x20: {  	[sflag:s8] =	ssyncset.s32 @!p0 $0xFFFFF086;
	s6 =	sadd.s32 @!p0 s3, s7;
	s7 =	simm.s32 @!p0 $0x108  }
0x21: {  	s3 =	sadd.s32 s3, s9;
	s6 =	sadd.s32 @!p0 $0x88, s6;
	s7 =	simm.s32 @p2 $0x1082  }
0x22: {  	[simem:s7], [sflag:s8] =	dma.local @!p0 [hbm:s6], $0xF7A  }
0x23: {  	s9 =	sor.u32 $0xD0000000, s2;
	s6 =	simm.s32 $0x108;
	_ =	swait.ge @!p0 [sflag:s8], $0x0  }
0x24: {  	s3 =	sadd.s32 $0x88, s3;
	s6 =	simm.s32 @!p1 $0x1082;
	[sflag:s4] =	ssyncset.s32 $0xFFFFF086  }
0x25: {  	[simem:s6], [sflag:s4] =	dma.local [hbm:s3], $0xF7A  }
0x26: {  	[smem:$0x3F9B] =	sst s1;
	(tag) =	ssettag s2;
	_ =	strace s9  }
0x27: {  	s1 =	sld [smem:$0x3FAB]  }
0x28: {  	s2 =	sld [smem:$0x3FAC]  }
0x29: {  	s4 =	sld [smem:$0x3FAE]  }
0x2a: {  	p0 =	seq.s32 s5, $0x0;
	s5 =	sld [smem:$0x3FAF]  }
0x2b: {  	s6 =	sld [smem:$0x3FB0]  }
0x2c: {  	s7 =	sld [smem:$0x3FB1]  }
0x2d: {  	s3 =	simm.s32 $0x108;
	s8 =	sld [smem:$0x3FB2]  }
0x2e: {  	s3 =	simm.s32 @!p0 $0x1082;
	s9 =	sld [smem:$0x3FB3]  }
0x2f: {  	lr =	sadd.s32 s0, s3;
	s0 =	sld [smem:$0x3FAA]  }
0x30: {  	s3 =	sld [smem:$0x3FAD]  }
0x31: {  	[smem:$0x3FB6] =	sst s10  }
0x32: {  	s10 =	sld [smem:$0x3FB4];
	_ =	sdelay $0x3  }
0x33: {  	p0 =	seq.s32 s10, $0x1;
	s10 =	sld [smem:$0x3FB6];
	_ =	sdelay $0x3  }
0x34: {  	[smem:$0x3FB6] =	sst s10  }
0x35: {  	s10 =	sld [smem:$0x3FB5];
	_ =	sdelay $0x3  }
0x36: {  	p1 =	seq.s32 s10, $0x1;
	s10 =	sld [smem:$0x3FB6];
	_ =	sdelay $0x3  }
0x37: {  	[smem:$0x3FB6] =	sst s10  }
0x38: {  	s10 =	sld [smem:$0x3FB7]  }
0x39: {  	_ = 	snop;
	(pc) =	sbr.ind lr, $3  }
0x3a: {  	_ = 	snop  }
0x3b: {  	_ = 	snop  }
0x3c: {  	p2 =	seq.s32 s10, $0x1;
	s10 =	sld [smem:$0x3FB6]  }
0x3d: {  	_ =	shalt  }
0x3e: {  	_ =	shalt  }
0x3f: {  	_ =	shalt  }
0x40: {  	_ =	shalt  }
0x41: {  	_ =	shalt  }
0x42: {  	_ =	shalt  }
0x43: {  	_ =	shalt  }
0x44: {  	_ =	shalt  }
0x45: {  	_ =	shalt  }
0x46: {  	_ =	shalt  }
0x47: {  	_ =	shalt  }
0x48: {  	_ =	shalt  }
0x49: {  	_ =	shalt  }
0x4a: {  	_ =	shalt  }
0x4b: {  	_ =	shalt  }
0x4c: {  	_ =	shalt  }
0x4d: {  	_ =	shalt  }
0x4e: {  	_ =	shalt  }
0x4f: {  	_ =	shalt  }
0x50: {  	_ =	shalt  }
0x51: {  	_ =	shalt  }
0x52: {  	_ =	shalt  }
0x53: {  	_ =	shalt  }
0x54: {  	_ =	shalt  }
0x55: {  	_ =	shalt  }
0x56: {  	_ =	shalt  }
0x57: {  	_ =	shalt  }
0x58: {  	_ =	shalt  }
0x59: {  	_ =	shalt  }
0x5a: {  	_ =	shalt  }
0x5b: {  	_ =	shalt  }
0x5c: {  	_ =	shalt  }
0x5d: {  	_ =	shalt  }
0x5e: {  	_ =	shalt  }
0x5f: {  	_ =	shalt  }
0x60: {  	_ =	shalt  }
0x61: {  	_ =	shalt  }
0x62: {  	_ =	shalt  }
0x63: {  	_ =	shalt  }
0x64: {  	_ =	shalt  }
0x65: {  	_ =	shalt  }
0x66: {  	_ =	shalt  }
0x67: {  	_ =	shalt  }
0x68: {  	_ =	shalt  }
0x69: {  	_ =	shalt  }
0x6a: {  	_ =	shalt  }
0x6b: {  	_ =	shalt  }
0x6c: {  	_ =	shalt  }
0x6d: {  	_ =	shalt  }
0x6e: {  	_ =	shalt  }
0x6f: {  	_ =	shalt  }
0x70: {  	_ =	shalt  }
0x71: {  	_ =	shalt  }
0x72: {  	_ =	shalt  }
0x73: {  	_ =	shalt  }
0x74: {  	_ =	shalt  }
0x75: {  	_ =	shalt  }
0x76: {  	_ =	shalt  }
0x77: {  	_ =	shalt  }
0x78: {  	_ =	shalt  }
0x79: {  	_ =	shalt  }
0x7a: {  	_ =	shalt  }
0x7b: {  	_ =	shalt  }
0x7c: {  	_ =	shalt  }
0x7d: {  	_ =	shalt  }
0x7e: {  	_ =	shalt  }
0x7f: {  	_ =	shalt  }
0x80: {  	_ =	shalt  }
0x81: {  	_ =	shalt  }
0x82: {  	_ =	shalt  }
0x83: {  	_ =	shalt  }
0x84: {  	_ =	shalt  }
0x85: {  	_ =	shalt  }
0x86: {  	_ =	shalt  }
0x87: {  	_ =	shalt  }
.Lfunc_end0:
.L_simem_size_0:
called_computation.1_lowered:
.L_overlay_start_0:
0x88: {  	s2 =	sld [smem:$0x3FD9]  }
0x89: {  	s3 =	sld [smem:$0x3FFE];
	_ =	sdelay $0x1  }
0x8a: {  	s1 =	srdreg.scid  }
0x8b: {  	s0 =	sand.u32 $0x1, s1  }
0x8c: {  	s17 =	sshll.u32 s0, $0xA;
	s2 =	sadd.s32 s3, s2  }
0x8d: {  	s2 =	sadd.s32 s2, s17  }
0x8e: {  	[smem:$0x3FC2] =	sst s2  }
0x8f: {  	_ = 	snop  }
0x90: {  	s2 =	sld [smem:$0x3FD0];
	(tm) =	ssettm $0x1  }
0x91: {  	s18 =	sld [smem:$0x3FFB];
	_ =	sdelay $0x3  }
0x92: {  	_ =	strace s18  }
0x93: {  	s3 =	sld [smem:$0x3FFC];
	_ =	sdelay $0x3  }
0x94: {  	_ =	strace s3  }
0x95: {  	s3 =	sld [smem:$0x3FFD];
	_ =	sdelay $0x3  }
0x96: {  	_ =	strace s3  }
0x97: {  	_ =	strace $0x8FFFFFFF  }
0x98: {  	s19 =	sld [smem:$0x3FDB];
	_ =	sdelay $0x1  }
0x99: {  	s4 =	simm.s32 $_scs_section_size  }
0x9a: {  	s5 =	simm.s32 $_size__tile_overlayer_lowered;
	s6 =	simm.s32 $_tile_overlayer_lowered  }
0x9b: {  	s22 =	simm.s32 $0x1BFF;
	s21 =	sshll.u32 s6, $0x1;
	s3 =	sadd.s32 s4, s19  }
0x9c: {  	s7 =	simm.s32 $0x0;
	s20 =	sshll.u32 s5, $0x1;
	s5 =	sadd.s32 s21, s3  }
0x9d: {  	[timem:s7], [sflag:s22] =	dma.local [hbm:s5], s20  }
0x9e: {  	_ =	swait.ge [sflag:s22], s20  }
0x9f: {  	s4 =	ssub.s32 $0x0, s20;
	[sflag:s22] =	ssyncset.done $0x0  }
0xa0: {  	[sflag:s22] =	ssyncadd.s32 s4;
	_ =	sdelay $0x1  }
0xa1: {  	s23 =	simm.s32 $0x1B8B  }
0xa2: {  	_ =	swait.ge [sflag:s23], $0x1  }
0xa3: {  	[sflag:s23] =	ssyncset.done $0x0  }
0xa4: {  	s25 =	simm.s32 $0x1B8E;
	s24 =	sld [smem:$0x3FFE];
	[sflag:s23] =	ssyncadd.s32 $0xFFFFFFFF  }
0xa5: {  	s26 =	simm.s32 $execute0_lowered;
	[smem:$0x3FD2] =	sst s25  }
0xa6: {  	s5 =	sshll.u32 s26, $0x1;
	_ =	strace $0x80000049;
	[dreg:$0x1] =	wrdreg $0xFFFFFFFF  }
0xa7: {  	s28 =	simm.s32 $_size_execute0_lowered;
	s3 =	sadd.s32 s3, s5;
	[dreg:$0x0] =	wrdreg $0x0  }
0xa8: {  	s5 =	sshll.u32 s28, $0x1;
	[dreg:$0x2] =	wrdreg s3  }
0xa9: {  	[dreg:$0x3] =	wrdreg s5  }
0xaa: {  	[dreg:$0x4] =	wrdreg $0xC0  }
0xab: {  	_ =	task [dreg:s7], $0x5FFFF  }
0xac: {  	[dreg:$0x1] =	wrdreg $0xFFFFFFFF  }
0xad: {  	[dreg:$0x0] =	wrdreg $0x60  }
0xae: {  	[dreg:$0x2] =	wrdreg s24  }
0xaf: {  	[dreg:$0x3] =	wrdreg s2  }
0xb0: {  	[dreg:$0x4] =	wrdreg $0x7F000  }
0xb1: {  	[dreg:$0x5] =	wrdreg $0x9  }
0xb2: {  	_ =	task.clear_ibuf [dreg:s7], $0x6FFFF;
	_ =	strace $0x90000049  }
0xb3: {  	s29 =	simm.s32 $0x9;
	_ =	strace $0x8000004B  }
0xb4: {  	_ =	swait.ge [sflag:s29], $0x1  }
0xb5: {  	[sflag:s29] =	ssyncadd.s32 $0xFFFFFFFF  }
0xb6: {  	_ =	strace $0x9000004B  }
0xb7: {  	_ =	sfence  }
0xb8: {  	s30 =	sld [smem:$0x0];
	_ =	sdelay $0x2  }
0xb9: {  	s31 =	sshll.u32 s1, $0xD;
	s1 =	sshrl.u32 s1, $0x2  }
0xba: {  	s3 =	sand.u32 $0x4000, s31;
	s1 =	sadd.s32 s1, s30  }
0xbb: {  	s0 =	sor.u32 s3, s0;
	s1 =	sshll.u32 s1, $0x11  }
0xbc: {  	s0 =	sor.u32 s1, s0  }
0xbd: {  	s0 =	sadd.s32 $0x8F2B, s0  }
0xbe: {  	[sflag:s0] =	ssyncadd.remote.s32 $0x1  }
0xbf: {  	_ =	sfence.sel $0xFFFF  }
0xc0: {  	[dreg:$0x0] =	wrdreg $0xFFFFFFFF;
	(pc) =	sbr.abs _section_cstart, $3  }
0xc1: {  	[dreg:$0x1] =	wrdreg $0xFFFFFFFF  }
0xc2: {  	_ =	task.clear_ibuf [dreg:s7], $0x2FFFF;
	_ =	strace $0x9FFFFFFF  }
0xc3: {  	(tm) =	ssettm $0x7FFFFFFF  }
tec
execute0_lowered:
.L_overlay_start_1:
0x0: {  	(tag) =	ssettag $0x1  }
0x1: {  	s0 =	rddreg [dreg:$0x0]  }
0x2: {  	s3 =	rddreg [dreg:$0x2]  }
0x3: {  	s1 =	srdreg.scid;
	s2 =	stileid.u32  }
0x4: {  	s4 =	simm.s32 $0x0;
	s16 =	simm.s32 $0x7;
	s17 =	simm.s32 $0x100  }
0x5: {  	s18 =	simm.s32 $0x7D;
	s19 =	simm.s32 $0x200;
	s20 =	simm.s32 $0x80  }
0x6: {  	s22 =	simm.s32 $0x1;
	s23 =	simm.s32 $0x5;
	s24 =	simm.s32 $0x6  }
0x7: {  	s28 =	simm.s32 $0x0;
	s1 =	sand.u32 $0x1, s1;
	s7 =	smul.u32 $0x14000, s2  }
0x8: {  	[smem:$0x7FF] =	sst s4;
	s8 =	sshll.u32 s2, $0x1;
	s11 =	smul.u32 $0x5000, s2  }
0x9: {  	s5 =	sadd.s32 $0x16000, s0;
	s14 =	sadd.s32 $0x2000, s0;
	s6 =	smul.u32 $0x140000, s1  }
0xa: {  	s8 =	sor.u32 s1, s8;
	s9 =	ssub.s32 $0x2, s1;
	s1 =	smul.u32 $0x2800, s1  }
0xb: {  	s30 =	sshll.u32 s2, $0x6;
	_ =	strace $0x8000004A;
	s8 =	smul.u32 $0x2800, s8  }
0xc: {  	s26 =	sshrl.u32 s9, $0x1;
	s15 =	sadd.s32 s7, s3;
	s6 =	sadd.s32 s7, s6  }
0xd: {  	s10 =	ssub.s32 s9, s26;
	s7 =	sor.u32 $0x1C07, s30;
	s31 =	sadd.s32 s1, s11  }
0xe: {  	s15 =	sshrl.u32 s15, $0x3;
	s26 =	simm.s32 $0x4;
	s6 =	sshrl.u32 s6, $0x3  }
.Ltmp0:
0xf: {  	s29 =	sshrl.u32 s8, $0x3;
	s10 =	smax.u32 s10, $0x1;
	(pc) =	sbr.rel .LBB2_1-.Ltmp0, $4  }
0x10: {  	s1 =	sadd.s32 $0x50100, s31;
	s0 =	sadd.s32 s6, s0;
	s6 =	sadd.s32 s14, s29  }
0x11: {  	s1 =	sshrl.u32 s1, $0x3;
	s9 =	sadd.s32 $0x3D200, s0;
	s0 =	sor.u32 $0x100, s31  }
0x12: {  	s8 =	sadd.s32 $0xA000, s6;
	s11 =	sadd.s32 $0x10, s6;
	s0 =	sshrl.u32 s0, $0x3  }
0x13: {  	s12 =	sadd.s32 $0xA010, s6;
	s13 =	sadd.s32 s1, s14;
	s14 =	sadd.s32 s0, s14  }
.LBB2_3:
0x14: {  	s0 =	smul.u32 $0xFA00, s1;
	s2 =	sadd.s32 $0x1, s1  }
0x15: {  	_ =	swait.ge [sflag:s2], $0x3E80  }
0x16: {  	s30 =	sadd.s32 $0x3, s1;
	s0 =	sshrl.u32 s0, $0x2;
	[sflag:s2] =	ssyncset.done $0x0  }
0x17: {  	s31 =	simm.s32 $0x180;
	s0 =	sadd.s32 $0x200, s0;
	[sflag:s2] =	ssyncadd.s32 $0xFFFFC180  }
0x18: {  	[spmem:s3] =	stream.indirect.scatter.add.f32 [tilespmem:s0], [sflag:s30], $0x80, s31, s18, $0xb8;
	[tilespmem:$0x1BF00] =	vst v63  }
.LBB2_5:
0x19: {  	_ =	swait.ge [sflag:s26], $0x3E80  }
0x1a: {  	s28 =	sadd.s32 $0x1, s28;
	[sflag:s26] =	ssyncset.done $0x0  }
0x1b: {  	p0 =	sne.s32 s28, s10;
	[sflag:s26] =	ssyncadd.s32 $0xFFFFC180  }
.Ltmp1:
0x1c: {  	[bflag:$0x0] =	sbarrier.arrive $0xFFFF;
	(pc) =	sbr.rel @!p0 .LBB2_6-.Ltmp1, $4  }
0x1d: {  	[hbm:s9], [sflag:s7] =	dma.local [spmem:s15], $0x2800  }
0x1e: {  	_ =	swait.ge [sflag:s16], $0x2800  }
0x1f: {  	[sflag:s16] =	ssyncset.done $0x0  }
0x20: {  	[sflag:s16] =	ssyncadd.s32 $0xFFFFD800  }
.LBB2_1:
0x21: {  	s0 =	rddreg [dreg:$0x1]  }
0x22: {  	[spmem:s15], [sflag:s7] =	dma.local [hbm:s0], $0x2800  }
0x23: {  	_ =	swait.ge [sflag:s16], $0x2800  }
0x24: {  	[sflag:s16] =	ssyncset.done $0x0  }
0x25: {  	[sflag:s16] =	ssyncadd.s32 $0xFFFFD800  }
0x26: {  	[bflag:$0x0] =	sbarrier.arrive $0xFFFF  }
0x27: {  	[tilespmem:s4], [sflag:$0x7] =	stream.linear.gather [hbm4b:s6+s4], $0x80, $0x38;
	[tilespmem:$0x1BF00] =	vst v63  }
0x28: {  	_ =	swait.ge [sflag:s16], $0x80  }
0x29: {  	[sflag:s16] =	ssyncset.done $0x0  }
0x2a: {  	[sflag:s16] =	ssyncadd.s32 $0xFFFFFF80  }
0x2b: {  	[tilespmem:s17], [sflag:$0x7] =	stream.linear.gather [hbm4b:s8+s4], $0x80, $0x38;
	[tilespmem:$0x1BF00] =	vst v63  }
0x2c: {  	_ =	swait.ge [sflag:s16], $0x80  }
0x2d: {  	[sflag:s16] =	ssyncset.done $0x0  }
0x2e: {  	[sflag:s16] =	ssyncadd.s32 $0xFFFFFF80  }
0x2f: {  	[tilespmem:s19], [sflag:$0x1] =	stream.indirect.gather [hbm4b:s5+s18], $0x80, s4, s18, $0xb8;
	[tilespmem:$0x1BF00] =	vst v63  }
0x30: {  	_ = 	snop  }
0x31: {  	[tilespmem:s20], [sflag:$0x5] =	stream.linear.gather [hbm4b:s11+s4], $0x80, $0x38;
	[tilespmem:$0x1BF00] =	vst v63  }
0x32: {  	s21 =	simm.s32 $0x180  }
0x33: {  	[tilespmem:s21], [sflag:$0x6] =	stream.linear.gather [hbm4b:s12+s4], $0x80, $0x38;
	[tilespmem:$0x1BF00] =	vst v63  }
0x34: {  	_ =	swait.ge [sflag:s22], $0x3E80  }
0x35: {  	[sflag:s22] =	ssyncset.done $0x0  }
0x36: {  	[sflag:s22] =	ssyncadd.s32 $0xFFFFC180  }
0x37: {  	[spmem:s3] =	stream.indirect.scatter.add.f32 [tilespmem:s19], [sflag:$0x3], $0x80, s17, s18, $0xb8;
	[tilespmem:$0x1BF00] =	vst v63  }
0x38: {  	_ =	swait.ge [sflag:s23], $0x80  }
0x39: {  	[sflag:s23] =	ssyncset.done $0x0  }
0x3a: {  	[sflag:s23] =	ssyncadd.s32 $0xFFFFFF80  }
0x3b: {  	_ =	swait.ge [sflag:s24], $0x80  }
0x3c: {  	s25 =	simm.s32 $0x4080;
	s29 =	simm.s32 $0x2;
	[sflag:s24] =	ssyncset.done $0x0  }
0x3d: {  	s30 =	smov.u32 s14;
	s31 =	smov.u32 s13;
	[sflag:s24] =	ssyncadd.s32 $0xFFFFFF80  }
0x3e: {  	[tilespmem:s25], [sflag:$0x2] =	stream.indirect.gather [hbm4b:s5+s18], $0x80, s20, s18, $0xb8;
	[tilespmem:$0x1BF00] =	vst v63  }
.LBB2_2:
0x3f: {  	p0 =	sne.s32 s29, $0x50  }
.Ltmp2:
0x40: {  	s0 =	sand.u32 $0x1, s29;
	(pc) =	sbr.rel @!p0 .LBB2_3-.Ltmp2, $4  }
0x41: {  	s2 =	sadd.s32 $0x3, s0  }
0x42: {  	_ =	swait.ge [sflag:s2], $0x3E80  }
0x43: {  	s1 =	sadd.s32 $0xFFFFFFFF, s29;
	[sflag:s2] =	ssyncset.done $0x0  }
0x44: {  	s1 =	sand.u32 $0x1, s1;
	[sflag:s2] =	ssyncadd.s32 $0xFFFFC180  }
0x45: {  	s2 =	sshll.u32 s0, $0x7  }
0x46: {  	[tilespmem:s2], [sflag:$0x5] =	stream.linear.gather [hbm4b:s30+s4], $0x80, $0x38;
	[tilespmem:$0x1BF00] =	vst v63  }
0x47: {  	s25 =	sor.u32 $0x100, s2  }
0x48: {  	[tilespmem:s25], [sflag:$0x6] =	stream.linear.gather [hbm4b:s31+s4], $0x80, $0x38;
	[tilespmem:$0x1BF00] =	vst v63  }
0x49: {  	s25 =	sadd.s32 $0x1, s1  }
0x4a: {  	s21 =	smul.u32 $0xFA00, s1;
	_ =	swait.ge [sflag:s25], $0x3E80  }
0x4b: {  	[sflag:s25] =	ssyncset.done $0x0  }
0x4c: {  	s21 =	sshrl.u32 s21, $0x2;
	[sflag:s25] =	ssyncadd.s32 $0xFFFFC180;
	s25 =	sshll.u32 s1, $0x7  }
0x4d: {  	s21 =	sadd.s32 $0x200, s21;
	s1 =	sadd.s32 $0x3, s1;
	s25 =	sor.u32 $0x100, s25  }
0x4e: {  	[spmem:s3] =	stream.indirect.scatter.add.f32 [tilespmem:s21], [sflag:s1], $0x80, s25, s18, $0xb8;
	[tilespmem:$0x1BF00] =	vst v63  }
0x4f: {  	s29 =	sadd.s32 $0x1, s29;
	_ =	swait.ge [sflag:s23], $0x80  }
0x50: {  	p0 =	sne.s32 s29, $0x51;
	s21 =	smul.u32 $0xFA00, s0;
	[sflag:s23] =	ssyncset.done $0x0  }
.Ltmp3:
0x51: {  	[sflag:s23] =	ssyncadd.s32 $0xFFFFFF80;
	(pc) =	sbr.rel @p0 .LBB2_2-.Ltmp3, $4  }
.Ltmp4:
0x52: {  	s30 =	sadd.s32 $0x10, s30;
	_ =	swait.ge [sflag:s24], $0x80;
	(pc) =	sbr.rel @!p0 .LBB2_5-.Ltmp4, $4  }
0x53: {  	s31 =	sadd.s32 $0x10, s31;
	s1 =	sshrl.u32 s21, $0x2;
	[sflag:s24] =	ssyncset.done $0x0  }
0x54: {  	s25 =	sadd.s32 $0x1, s0;
	s1 =	sadd.s32 $0x200, s1;
	[sflag:s24] =	ssyncadd.s32 $0xFFFFFF80  }
0x55: {  	[tilespmem:s1], [sflag:s25] =	stream.indirect.gather [hbm4b:s5+s18], $0x80, s2, s18, $0xb8;
	[tilespmem:$0x1BF00] =	vst v63  }
0x56: {  	_ = 	snop  }
.LBB2_6:
0x57: {  	_ =	sfence.sel $0x180000  }
0x58: {  	[bflag:$0x0] =	sbarrier.arrive $0xFFFF  }
0x59: {  	_ =	strace $0x9000004A  }
0x5a: {  	s0 =	stileid.u32;
	[bflag:$0x2] =	sbarrier.arrive $0xFFFF  }
0x5b: {  	p0 =	sne.s32 s0, $0x0;
	s0 =	rddreg [dreg:$0x3]  }
0x5c: {  	s0 =	sadd.s32 @!p0 $0x100000, s0  }
0x5d: {  	[sflag:s0] =	ssyncadd.tile.s32 @!p0 $0x1;
	_ =	shalt  }
.Lfunc_end2:
_tile_overlayer_lowered:
.L_overlay_start_2:
0x5e: {  	(tag) =	ssettag $0x2  }
0x5f: {  	s0 =	rddreg [dreg:$0x0];
	s2 =	stileid.u32  }
0x60: {  	s1 =	rddreg [dreg:$0x1];
	p0 =	sne.s32 s2, $0x0  }
0x61: {  	s3 =	rddreg [dreg:$0x2];
	[bflag:$0x3] =	sbarrier.arrive $0xFFFF;
	s2 =	simm.s32 @!p0 $0x1C07  }
0x62: {  	[timem:s3], [sflag:s2] =	dma.local @!p0 [hbm:s0], s1  }
0x63: {  	s0 =	simm.s32 @!p0 $0x7  }
0x64: {  	_ =	swait.ge @!p0 [sflag:s0], s1  }
0x65: {  	s1 =	ssub.s32 @!p0 $0x0, s1;
	[sflag:s0] =	ssyncset.done @!p0 $0x0  }
0x66: {  	[sflag:s0] =	ssyncadd.s32 @!p0 s1  }
0x67: {  	[bflag:$0x3] =	sbarrier.arrive $0xFFFF  }
0x68: {  	_ =	shalt  }

// kernel: kernel.14.cloned.1.call-start
scs
__scs_entry_jumppad:
0x0: {  	(pc) =	sbr.rel $0x88, $3  }
0x1: {  	(tag) =	ssettag $0x0;
	lr =	simm.s32 $0x1  }
0x2: {  	[smem:$0x3F9B] =	sst lr;
	_ =	strace $0xD0000000  }
0x3: {  	_ = 	snop  }
0x4: {  	_ = 	snop  }
0x5: {  	_ = 	snop  }
0x6: {  	_ = 	snop  }
0x7: {  	_ = 	snop  }
__scs_overlays_trampoline_lowered:
0x8: {  	[smem:$0x3FAA] =	sst s0  }
0x9: {  	[smem:$0x3FAB] =	sst s1  }
0xa: {  	[smem:$0x3FAC] =	sst s2  }
0xb: {  	[smem:$0x3FAD] =	sst s3  }
0xc: {  	[smem:$0x3FAE] =	sst s4  }
0xd: {  	[smem:$0x3FAF] =	sst s5  }
0xe: {  	[smem:$0x3FB0] =	sst s6  }
0xf: {  	[smem:$0x3FB1] =	sst s7  }
0x10: {  	[smem:$0x3FB2] =	sst s8  }
0x11: {  	[smem:$0x3FB3] =	sst s9;
	s0 =	simm.s32 @!p0 $0x0  }
0x12: {  	s1 =	sld [smem:$0x3F99];
	s0 =	simm.s32 @p0 $0x1  }
0x13: {  	[smem:$0x3FB4] =	sst s0;
	s0 =	simm.s32 @!p1 $0x0  }
0x14: {  	s2 =	sld [smem:$0x3F98];
	s0 =	simm.s32 @p1 $0x1  }
0x15: {  	[smem:$0x3FB5] =	sst s0;
	s0 =	simm.s32 @!p2 $0x0  }
0x16: {  	s3 =	sld [smem:$0x3FDB];
	s0 =	simm.s32 @p2 $0x1  }
0x17: {  	s4 =	simm.s32 $0x1BF5;
	[smem:$0x3FB7] =	sst s0  }
0x18: {  	s0 =	sld [smem:$0x3F9A];
	_ =	swait.ge [sflag:s4], $0x0  }
0x19: {  	s7 =	sld [smem:$0x3F9B]  }
0x1a: {  	s8 =	sadd.s32 $0xFFFFE003, lr  }
0x1b: {  	s9 =	sadd.s32 $0xFFFFFEF7, lr;
	s5 =	simm.s32 $0xFFFFFFFF;
	p2 =	slt.u32 s8, $0xFFFFF086  }
0x1c: {  	p1 =	slt.u32 s9, $0xF7A;
	s5 =	simm.s32 @!p2 $0x0  }
0x1d: {  	s5 =	simm.s32 @p1 $0x1;
	p0 =	seq.s32 s7, s2  }
0x1e: {  	s7 =	smul.u32 @!p0 $0xF7A, s2;
	p2 =	seq.s32 @!p0 s5, $0x0  }
0x1f: {  	s9 =	smul.u32 $0xF7A, s1;
	s8 =	simm.s32 @!p0 $0x1BF5;
	p2 =	por !p2, p0  }
0x20: {  	[sflag:s8] =	ssyncset.s32 @!p0 $0xFFFFF086;
	s6 =	sadd.s32 @!p0 s3, s7;
	s7 =	simm.s32 @!p0 $0x108  }
0x21: {  	s3 =	sadd.s32 s3, s9;
	s6 =	sadd.s32 @!p0 $0x88, s6;
	s7 =	simm.s32 @p2 $0x1082  }
0x22: {  	[simem:s7], [sflag:s8] =	dma.local @!p0 [hbm:s6], $0xF7A  }
0x23: {  	s9 =	sor.u32 $0xD0000000, s2;
	s6 =	simm.s32 $0x108;
	_ =	swait.ge @!p0 [sflag:s8], $0x0  }
0x24: {  	s3 =	sadd.s32 $0x88, s3;
	s6 =	simm.s32 @!p1 $0x1082;
	[sflag:s4] =	ssyncset.s32 $0xFFFFF086  }
0x25: {  	[simem:s6], [sflag:s4] =	dma.local [hbm:s3], $0xF7A  }
0x26: {  	[smem:$0x3F9B] =	sst s1;
	(tag) =	ssettag s2;
	_ =	strace s9  }
0x27: {  	s1 =	sld [smem:$0x3FAB]  }
0x28: {  	s2 =	sld [smem:$0x3FAC]  }
0x29: {  	s4 =	sld [smem:$0x3FAE]  }
0x2a: {  	p0 =	seq.s32 s5, $0x0;
	s5 =	sld [smem:$0x3FAF]  }
0x2b: {  	s6 =	sld [smem:$0x3FB0]  }
0x2c: {  	s7 =	sld [smem:$0x3FB1]  }
0x2d: {  	s3 =	simm.s32 $0x108;
	s8 =	sld [smem:$0x3FB2]  }
0x2e: {  	s3 =	simm.s32 @!p0 $0x1082;
	s9 =	sld [smem:$0x3FB3]  }
0x2f: {  	lr =	sadd.s32 s0, s3;
	s0 =	sld [smem:$0x3FAA]  }
0x30: {  	s3 =	sld [smem:$0x3FAD]  }
0x31: {  	[smem:$0x3FB6] =	sst s10  }
0x32: {  	s10 =	sld [smem:$0x3FB4];
	_ =	sdelay $0x3  }
0x33: {  	p0 =	seq.s32 s10, $0x1;
	s10 =	sld [smem:$0x3FB6];
	_ =	sdelay $0x3  }
0x34: {  	[smem:$0x3FB6] =	sst s10  }
0x35: {  	s10 =	sld [smem:$0x3FB5];
	_ =	sdelay $0x3  }
0x36: {  	p1 =	seq.s32 s10, $0x1;
	s10 =	sld [smem:$0x3FB6];
	_ =	sdelay $0x3  }
0x37: {  	[smem:$0x3FB6] =	sst s10  }
0x38: {  	s10 =	sld [smem:$0x3FB7]  }
0x39: {  	_ = 	snop;
	(pc) =	sbr.ind lr, $3  }
0x3a: {  	_ = 	snop  }
0x3b: {  	_ = 	snop  }
0x3c: {  	p2 =	seq.s32 s10, $0x1;
	s10 =	sld [smem:$0x3FB6]  }
0x3d: {  	_ =	shalt  }
0x3e: {  	_ =	shalt  }
0x3f: {  	_ =	shalt  }
0x40: {  	_ =	shalt  }
0x41: {  	_ =	shalt  }
0x42: {  	_ =	shalt  }
0x43: {  	_ =	shalt  }
0x44: {  	_ =	shalt  }
0x45: {  	_ =	shalt  }
0x46: {  	_ =	shalt  }
0x47: {  	_ =	shalt  }
0x48: {  	_ =	shalt  }
0x49: {  	_ =	shalt  }
0x4a: {  	_ =	shalt  }
0x4b: {  	_ =	shalt  }
0x4c: {  	_ =	shalt  }
0x4d: {  	_ =	shalt  }
0x4e: {  	_ =	shalt  }
0x4f: {  	_ =	shalt  }
0x50: {  	_ =	shalt  }
0x51: {  	_ =	shalt  }
0x52: {  	_ =	shalt  }
0x53: {  	_ =	shalt  }
0x54: {  	_ =	shalt  }
0x55: {  	_ =	shalt  }
0x56: {  	_ =	shalt  }
0x57: {  	_ =	shalt  }
0x58: {  	_ =	shalt  }
0x59: {  	_ =	shalt  }
0x5a: {  	_ =	shalt  }
0x5b: {  	_ =	shalt  }
0x5c: {  	_ =	shalt  }
0x5d: {  	_ =	shalt  }
0x5e: {  	_ =	shalt  }
0x5f: {  	_ =	shalt  }
0x60: {  	_ =	shalt  }
0x61: {  	_ =	shalt  }
0x62: {  	_ =	shalt  }
0x63: {  	_ =	shalt  }
0x64: {  	_ =	shalt  }
0x65: {  	_ =	shalt  }
0x66: {  	_ =	shalt  }
0x67: {  	_ =	shalt  }
0x68: {  	_ =	shalt  }
0x69: {  	_ =	shalt  }
0x6a: {  	_ =	shalt  }
0x6b: {  	_ =	shalt  }
0x6c: {  	_ =	shalt  }
0x6d: {  	_ =	shalt  }
0x6e: {  	_ =	shalt  }
0x6f: {  	_ =	shalt  }
0x70: {  	_ =	shalt  }
0x71: {  	_ =	shalt  }
0x72: {  	_ =	shalt  }
0x73: {  	_ =	shalt  }
0x74: {  	_ =	shalt  }
0x75: {  	_ =	shalt  }
0x76: {  	_ =	shalt  }
0x77: {  	_ =	shalt  }
0x78: {  	_ =	shalt  }
0x79: {  	_ =	shalt  }
0x7a: {  	_ =	shalt  }
0x7b: {  	_ =	shalt  }
0x7c: {  	_ =	shalt  }
0x7d: {  	_ =	shalt  }
0x7e: {  	_ =	shalt  }
0x7f: {  	_ =	shalt  }
0x80: {  	_ =	shalt  }
0x81: {  	_ =	shalt  }
0x82: {  	_ =	shalt  }
0x83: {  	_ =	shalt  }
0x84: {  	_ =	shalt  }
0x85: {  	_ =	shalt  }
0x86: {  	_ =	shalt  }
0x87: {  	_ =	shalt  }
.Lfunc_end0:
.L_simem_size_0:
called_computation.2_lowered:
.L_overlay_start_0:
0x88: {  	s2 =	sld [smem:$0x3FD9]  }
0x89: {  	s3 =	sld [smem:$0x3FFE];
	_ =	sdelay $0x1  }
0x8a: {  	s1 =	srdreg.scid  }
0x8b: {  	s0 =	sand.u32 $0x1, s1  }
0x8c: {  	s17 =	sshll.u32 s0, $0xA;
	s2 =	sadd.s32 s3, s2  }
0x8d: {  	s2 =	sadd.s32 s2, s17  }
0x8e: {  	[smem:$0x3FC2] =	sst s2  }
0x8f: {  	_ = 	snop  }
0x90: {  	s2 =	sld [smem:$0x3FD0];
	(tm) =	ssettm $0x1  }
0x91: {  	s18 =	sld [smem:$0x3FFB];
	_ =	sdelay $0x3  }
0x92: {  	_ =	strace s18  }
0x93: {  	s3 =	sld [smem:$0x3FFC];
	_ =	sdelay $0x3  }
0x94: {  	_ =	strace s3  }
0x95: {  	s3 =	sld [smem:$0x3FFD];
	_ =	sdelay $0x3  }
0x96: {  	_ =	strace s3  }
0x97: {  	_ =	strace $0x8FFFFFFF  }
0x98: {  	s19 =	sld [smem:$0x3FDB];
	_ =	sdelay $0x1  }
0x99: {  	s4 =	simm.s32 $_scs_section_size  }
0x9a: {  	s5 =	simm.s32 $_size__tile_overlayer_lowered;
	s6 =	simm.s32 $_tile_overlayer_lowered  }
0x9b: {  	s22 =	simm.s32 $0x1BFF;
	s21 =	sshll.u32 s6, $0x1;
	s3 =	sadd.s32 s4, s19  }
0x9c: {  	s7 =	simm.s32 $0x0;
	s20 =	sshll.u32 s5, $0x1;
	s5 =	sadd.s32 s21, s3  }
0x9d: {  	[timem:s7], [sflag:s22] =	dma.local [hbm:s5], s20  }
0x9e: {  	_ =	swait.ge [sflag:s22], s20  }
0x9f: {  	s4 =	ssub.s32 $0x0, s20;
	[sflag:s22] =	ssyncset.done $0x0  }
0xa0: {  	[sflag:s22] =	ssyncadd.s32 s4;
	_ =	sdelay $0x1  }
0xa1: {  	s23 =	simm.s32 $0x1B8B  }
0xa2: {  	_ =	swait.ge [sflag:s23], $0x1  }
0xa3: {  	[sflag:s23] =	ssyncset.done $0x0  }
0xa4: {  	s25 =	simm.s32 $0x1B8E;
	s24 =	sld [smem:$0x3FFE];
	[sflag:s23] =	ssyncadd.s32 $0xFFFFFFFF  }
0xa5: {  	s26 =	simm.s32 $execute0_lowered;
	[smem:$0x3FD2] =	sst s25  }
0xa6: {  	s5 =	sshll.u32 s26, $0x1;
	_ =	strace $0x8000004C;
	[dreg:$0x1] =	wrdreg $0xFFFFFFFF  }
0xa7: {  	s28 =	simm.s32 $_size_execute0_lowered;
	s3 =	sadd.s32 s3, s5;
	[dreg:$0x0] =	wrdreg $0x0  }
0xa8: {  	s5 =	sshll.u32 s28, $0x1;
	[dreg:$0x2] =	wrdreg s3  }
0xa9: {  	[dreg:$0x3] =	wrdreg s5  }
0xaa: {  	[dreg:$0x4] =	wrdreg $0xC0  }
0xab: {  	_ =	task [dreg:s7], $0x5FFFF  }
0xac: {  	[dreg:$0x1] =	wrdreg $0xFFFFFFFF  }
0xad: {  	[dreg:$0x0] =	wrdreg $0x60  }
0xae: {  	[dreg:$0x2] =	wrdreg s2  }
0xaf: {  	[dreg:$0x3] =	wrdreg s24  }
0xb0: {  	[dreg:$0x4] =	wrdreg $0x40800  }
0xb1: {  	[dreg:$0x5] =	wrdreg $0x9  }
0xb2: {  	_ =	task.clear_ibuf [dreg:s7], $0x6FFFF;
	_ =	strace $0x9000004C  }
0xb3: {  	s29 =	simm.s32 $0x9;
	_ =	strace $0x8000004E  }
0xb4: {  	_ =	swait.ge [sflag:s29], $0x1  }
0xb5: {  	[sflag:s29] =	ssyncadd.s32 $0xFFFFFFFF  }
0xb6: {  	_ =	strace $0x9000004E  }
0xb7: {  	_ =	sfence  }
0xb8: {  	s30 =	sld [smem:$0x0];
	_ =	sdelay $0x2  }
0xb9: {  	s31 =	sshll.u32 s1, $0xD;
	s1 =	sshrl.u32 s1, $0x2  }
0xba: {  	s3 =	sand.u32 $0x4000, s31;
	s1 =	sadd.s32 s1, s30  }
0xbb: {  	s0 =	sor.u32 s3, s0;
	s1 =	sshll.u32 s1, $0x11  }
0xbc: {  	s0 =	sor.u32 s1, s0  }
0xbd: {  	s0 =	sadd.s32 $0x8F2B, s0  }
0xbe: {  	[sflag:s0] =	ssyncadd.remote.s32 $0x1  }
0xbf: {  	_ =	sfence.sel $0xFFFF  }
0xc0: {  	[dreg:$0x0] =	wrdreg $0xFFFFFFFF;
	(pc) =	sbr.abs _section_cstart, $3  }
0xc1: {  	[dreg:$0x1] =	wrdreg $0xFFFFFFFF  }
0xc2: {  	_ =	task.clear_ibuf [dreg:s7], $0x2FFFF;
	_ =	strace $0x9FFFFFFF  }
0xc3: {  	(tm) =	ssettm $0x7FFFFFFF  }
tec
execute0_lowered:
.L_overlay_start_1:
0x0: {  	(tag) =	ssettag $0x1  }
0x1: {  	s1 =	rddreg [dreg:$0x0]  }
0x2: {  	s0 =	rddreg [dreg:$0x1]  }
0x3: {  	s3 =	rddreg [dreg:$0x2]  }
0x4: {  	s2 =	srdreg.scid;
	s12 =	stileid.u32;
	s4 =	simm.s32 $0x0  }
0x5: {  	s16 =	simm.s32 $0x7;
	s17 =	simm.s32 $0x100;
	s18 =	simm.s32 $0x7D  }
0x6: {  	s19 =	simm.s32 $0x200;
	s20 =	simm.s32 $0x80;
	s22 =	simm.s32 $0x1  }
0x7: {  	s23 =	simm.s32 $0x5;
	s24 =	simm.s32 $0x6;
	s28 =	simm.s32 $0x0  }
0x8: {  	s2 =	sand.u32 $0x1, s2;
	s7 =	smul.u32 $0xA000, s12;
	[smem:$0x7FF] =	sst s4  }
0x9: {  	s6 =	sshll.u32 s12, $0x1;
	s14 =	sadd.s32 $0x2000, s0;
	s11 =	smul.u32 $0x5000, s12  }
0xa: {  	s26 =	sadd.s32 $0x16000, s0;
	s30 =	sshll.u32 s12, $0x6;
	s5 =	smul.u32 $0xA0000, s2  }
0xb: {  	_ =	strace $0x8000004D;
	s6 =	sor.u32 s2, s6;
	s9 =	ssub.s32 $0x2, s2  }
0xc: {  	[dreg:$0x4] =	wrdreg s26;
	s2 =	smul.u32 $0x2800, s2;
	s26 =	simm.s32 $0x4  }
0xd: {  	s6 =	smul.u32 $0x2800, s6;
	s29 =	sshrl.u32 s9, $0x1;
	s15 =	sadd.s32 s7, s3  }
0xe: {  	s5 =	sadd.s32 s7, s5;
	s10 =	ssub.s32 s9, s29;
	s7 =	sor.u32 $0x1C07, s30  }
0xf: {  	s31 =	sadd.s32 s2, s11;
	s15 =	sshrl.u32 s15, $0x3;
	s8 =	sshrl.u32 s5, $0x3  }
.Ltmp0:
0x10: {  	s6 =	sshrl.u32 s6, $0x3;
	s10 =	smax.u32 s10, $0x1;
	(pc) =	sbr.rel .LBB2_1-.Ltmp0, $4  }
0x11: {  	s2 =	sadd.s32 $0x50100, s31;
	s0 =	sadd.s32 s8, s0;
	s6 =	sadd.s32 s14, s6  }
0x12: {  	s2 =	sshrl.u32 s2, $0x3;
	s9 =	sadd.s32 $0x17400, s0;
	s0 =	sor.u32 $0x100, s31  }
0x13: {  	s8 =	sadd.s32 $0xA000, s6;
	s11 =	sadd.s32 $0x10, s6;
	s0 =	sshrl.u32 s0, $0x3  }
0x14: {  	s12 =	sadd.s32 $0xA010, s6;
	s13 =	sadd.s32 s2, s14;
	s14 =	sadd.s32 s0, s14  }
.LBB2_3:
0x15: {  	s0 =	smul.u32 $0x7D00, s2;
	s25 =	sadd.s32 $0x1, s2  }
0x16: {  	_ =	swait.ge [sflag:s25], $0x1F40  }
0x17: {  	s31 =	sadd.s32 $0x3, s2;
	s0 =	sshrl.u32 s0, $0x2;
	[sflag:s25] =	ssyncset.done $0x0  }
0x18: {  	s5 =	simm.s32 $0x180;
	s0 =	sadd.s32 $0x200, s0;
	[sflag:s25] =	ssyncadd.s32 $0xFFFFE0C0  }
0x19: {  	[spmem:s3] =	stream.indirect.scatter.add.f32 [tilespmem:s0], [sflag:s31], $0x40, s5, s18, $0xb8;
	[tilespmem:$0xE080] =	vst v63  }
.LBB2_5:
0x1a: {  	_ =	swait.ge [sflag:s26], $0x1F40  }
0x1b: {  	s28 =	sadd.s32 $0x1, s28;
	[sflag:s26] =	ssyncset.done $0x0  }
0x1c: {  	p0 =	sne.s32 s28, s10;
	[sflag:s26] =	ssyncadd.s32 $0xFFFFE0C0  }
.Ltmp1:
0x1d: {  	[bflag:$0x0] =	sbarrier.arrive $0xFFFF;
	(pc) =	sbr.rel @!p0 .LBB2_6-.Ltmp1, $4  }
0x1e: {  	[hbm:s9], [sflag:s7] =	dma.local [spmem:s15], $0x1400  }
0x1f: {  	_ =	swait.ge [sflag:s16], $0x1400  }
0x20: {  	[sflag:s16] =	ssyncset.done $0x0  }
0x21: {  	[sflag:s16] =	ssyncadd.s32 $0xFFFFEC00  }
.LBB2_1:
0x22: {  	s0 =	rddreg [dreg:$0x4]  }
0x23: {  	[spmem:s15], [sflag:s7] =	dma.local [hbm:s0], $0x1400  }
0x24: {  	_ =	swait.ge [sflag:s16], $0x1400  }
0x25: {  	[sflag:s16] =	ssyncset.done $0x0  }
0x26: {  	[sflag:s16] =	ssyncadd.s32 $0xFFFFEC00  }
0x27: {  	[bflag:$0x0] =	sbarrier.arrive $0xFFFF  }
0x28: {  	[tilespmem:s4], [sflag:$0x7] =	stream.linear.gather [hbm4b:s6+s4], $0x80, $0x38;
	[tilespmem:$0xE080] =	vst v63  }
0x29: {  	_ =	swait.ge [sflag:s16], $0x80  }
0x2a: {  	[sflag:s16] =	ssyncset.done $0x0  }
0x2b: {  	[sflag:s16] =	ssyncadd.s32 $0xFFFFFF80  }
0x2c: {  	[tilespmem:s17], [sflag:$0x7] =	stream.linear.gather [hbm4b:s8+s4], $0x80, $0x38;
	[tilespmem:$0xE080] =	vst v63  }
0x2d: {  	_ =	swait.ge [sflag:s16], $0x80  }
0x2e: {  	[sflag:s16] =	ssyncset.done $0x0  }
0x2f: {  	[sflag:s16] =	ssyncadd.s32 $0xFFFFFF80  }
0x30: {  	[tilespmem:s19], [sflag:$0x1] =	stream.indirect.gather [hbm4b:s1+s18], $0x40, s4, s18, $0xb8;
	[tilespmem:$0xE080] =	vst v63  }
0x31: {  	_ = 	snop  }
0x32: {  	[tilespmem:s20], [sflag:$0x5] =	stream.linear.gather [hbm4b:s11+s4], $0x80, $0x38;
	[tilespmem:$0xE080] =	vst v63  }
0x33: {  	s21 =	simm.s32 $0x180  }
0x34: {  	[tilespmem:s21], [sflag:$0x6] =	stream.linear.gather [hbm4b:s12+s4], $0x80, $0x38;
	[tilespmem:$0xE080] =	vst v63  }
0x35: {  	_ =	swait.ge [sflag:s22], $0x1F40  }
0x36: {  	[sflag:s22] =	ssyncset.done $0x0  }
0x37: {  	[sflag:s22] =	ssyncadd.s32 $0xFFFFE0C0  }
0x38: {  	[spmem:s3] =	stream.indirect.scatter.add.f32 [tilespmem:s19], [sflag:$0x3], $0x40, s17, s18, $0xb8;
	[tilespmem:$0xE080] =	vst v63  }
0x39: {  	_ =	swait.ge [sflag:s23], $0x80  }
0x3a: {  	[sflag:s23] =	ssyncset.done $0x0  }
0x3b: {  	[sflag:s23] =	ssyncadd.s32 $0xFFFFFF80  }
0x3c: {  	_ =	swait.ge [sflag:s24], $0x80  }
0x3d: {  	s25 =	simm.s32 $0x2140;
	s29 =	simm.s32 $0x2;
	[sflag:s24] =	ssyncset.done $0x0  }
0x3e: {  	s30 =	smov.u32 s14;
	s31 =	smov.u32 s13;
	[sflag:s24] =	ssyncadd.s32 $0xFFFFFF80  }
0x3f: {  	[tilespmem:s25], [sflag:$0x2] =	stream.indirect.gather [hbm4b:s1+s18], $0x40, s20, s18, $0xb8;
	[tilespmem:$0xE080] =	vst v63  }
.LBB2_2:
0x40: {  	p0 =	sne.s32 s29, $0x50  }
.Ltmp2:
0x41: {  	s0 =	sand.u32 $0x1, s29;
	(pc) =	sbr.rel @!p0 .LBB2_3-.Ltmp2, $4  }
0x42: {  	s25 =	sadd.s32 $0x3, s0  }
0x43: {  	_ =	swait.ge [sflag:s25], $0x1F40  }
0x44: {  	s2 =	sadd.s32 $0xFFFFFFFF, s29;
	[sflag:s25] =	ssyncset.done $0x0  }
0x45: {  	s2 =	sand.u32 $0x1, s2;
	[sflag:s25] =	ssyncadd.s32 $0xFFFFE0C0  }
0x46: {  	s25 =	sshll.u32 s0, $0x7  }
0x47: {  	[tilespmem:s25], [sflag:$0x5] =	stream.linear.gather [hbm4b:s30+s4], $0x80, $0x38;
	[tilespmem:$0xE080] =	vst v63  }
0x48: {  	s21 =	sor.u32 $0x100, s25  }
0x49: {  	[tilespmem:s21], [sflag:$0x6] =	stream.linear.gather [hbm4b:s31+s4], $0x80, $0x38;
	[tilespmem:$0xE080] =	vst v63  }
0x4a: {  	s21 =	sadd.s32 $0x1, s2  }
0x4b: {  	s5 =	smul.u32 $0x7D00, s2;
	_ =	swait.ge [sflag:s21], $0x1F40  }
0x4c: {  	[sflag:s21] =	ssyncset.done $0x0  }
0x4d: {  	s5 =	sshrl.u32 s5, $0x2;
	[sflag:s21] =	ssyncadd.s32 $0xFFFFE0C0;
	s21 =	sshll.u32 s2, $0x7  }
0x4e: {  	s5 =	sadd.s32 $0x200, s5;
	s2 =	sadd.s32 $0x3, s2;
	s21 =	sor.u32 $0x100, s21  }
0x4f: {  	[spmem:s3] =	stream.indirect.scatter.add.f32 [tilespmem:s5], [sflag:s2], $0x40, s21, s18, $0xb8;
	[tilespmem:$0xE080] =	vst v63  }
0x50: {  	s29 =	sadd.s32 $0x1, s29;
	_ =	swait.ge [sflag:s23], $0x80  }
0x51: {  	p0 =	sne.s32 s29, $0x51;
	s5 =	smul.u32 $0x7D00, s0;
	[sflag:s23] =	ssyncset.done $0x0  }
.Ltmp3:
0x52: {  	[sflag:s23] =	ssyncadd.s32 $0xFFFFFF80;
	(pc) =	sbr.rel @p0 .LBB2_2-.Ltmp3, $4  }
.Ltmp4:
0x53: {  	s30 =	sadd.s32 $0x10, s30;
	_ =	swait.ge [sflag:s24], $0x80;
	(pc) =	sbr.rel @!p0 .LBB2_5-.Ltmp4, $4  }
0x54: {  	s31 =	sadd.s32 $0x10, s31;
	s2 =	sshrl.u32 s5, $0x2;
	[sflag:s24] =	ssyncset.done $0x0  }
0x55: {  	s21 =	sadd.s32 $0x1, s0;
	s2 =	sadd.s32 $0x200, s2;
	[sflag:s24] =	ssyncadd.s32 $0xFFFFFF80  }
0x56: {  	[tilespmem:s2], [sflag:s21] =	stream.indirect.gather [hbm4b:s1+s18], $0x40, s25, s18, $0xb8;
	[tilespmem:$0xE080] =	vst v63  }
0x57: {  	_ = 	snop  }
.LBB2_6:
0x58: {  	_ =	sfence.sel $0x180000  }
0x59: {  	[bflag:$0x0] =	sbarrier.arrive $0xFFFF  }
0x5a: {  	_ =	strace $0x9000004D  }
0x5b: {  	s0 =	stileid.u32;
	[bflag:$0x2] =	sbarrier.arrive $0xFFFF  }
0x5c: {  	p0 =	sne.s32 s0, $0x0;
	s0 =	rddreg [dreg:$0x3]  }
0x5d: {  	s0 =	sadd.s32 @!p0 $0x100000, s0  }
0x5e: {  	[sflag:s0] =	ssyncadd.tile.s32 @!p0 $0x1;
	_ =	shalt  }
.Lfunc_end2:
_tile_overlayer_lowered:
.L_overlay_start_2:
0x5f: {  	(tag) =	ssettag $0x2  }
0x60: {  	s0 =	rddreg [dreg:$0x0];
	s2 =	stileid.u32  }
0x61: {  	s1 =	rddreg [dreg:$0x1];
	p0 =	sne.s32 s2, $0x0  }
0x62: {  	s3 =	rddreg [dreg:$0x2];
	[bflag:$0x3] =	sbarrier.arrive $0xFFFF;
	s2 =	simm.s32 @!p0 $0x1C07  }
0x63: {  	[timem:s3], [sflag:s2] =	dma.local @!p0 [hbm:s0], s1  }
0x64: {  	s0 =	simm.s32 @!p0 $0x7  }
0x65: {  	_ =	swait.ge @!p0 [sflag:s0], s1  }
0x66: {  	s1 =	ssub.s32 @!p0 $0x0, s1;
	[sflag:s0] =	ssyncset.done @!p0 $0x0  }
0x67: {  	[sflag:s0] =	ssyncadd.s32 @!p0 s1  }
0x68: {  	[bflag:$0x3] =	sbarrier.arrive $0xFFFF  }
0x69: {  	_ =	shalt  }

// kernel: kernel.8.cloned.1.call-start
scs
__scs_entry_jumppad:
0x0: {  	(pc) =	sbr.rel $0x88, $3  }
0x1: {  	(tag) =	ssettag $0x0;
	lr =	simm.s32 $0x1  }
0x2: {  	[smem:$0x3F9B] =	sst lr;
	_ =	strace $0xD0000000  }
0x3: {  	_ = 	snop  }
0x4: {  	_ = 	snop  }
0x5: {  	_ = 	snop  }
0x6: {  	_ = 	snop  }
0x7: {  	_ = 	snop  }
__scs_overlays_trampoline_lowered:
0x8: {  	[smem:$0x3FAA] =	sst s0  }
0x9: {  	[smem:$0x3FAB] =	sst s1  }
0xa: {  	[smem:$0x3FAC] =	sst s2  }
0xb: {  	[smem:$0x3FAD] =	sst s3  }
0xc: {  	[smem:$0x3FAE] =	sst s4  }
0xd: {  	[smem:$0x3FAF] =	sst s5  }
0xe: {  	[smem:$0x3FB0] =	sst s6  }
0xf: {  	[smem:$0x3FB1] =	sst s7  }
0x10: {  	[smem:$0x3FB2] =	sst s8  }
0x11: {  	[smem:$0x3FB3] =	sst s9;
	s0 =	simm.s32 @!p0 $0x0  }
0x12: {  	s1 =	sld [smem:$0x3F99];
	s0 =	simm.s32 @p0 $0x1  }
0x13: {  	[smem:$0x3FB4] =	sst s0;
	s0 =	simm.s32 @!p1 $0x0  }
0x14: {  	s2 =	sld [smem:$0x3F98];
	s0 =	simm.s32 @p1 $0x1  }
0x15: {  	[smem:$0x3FB5] =	sst s0;
	s0 =	simm.s32 @!p2 $0x0  }
0x16: {  	s3 =	sld [smem:$0x3FDB];
	s0 =	simm.s32 @p2 $0x1  }
0x17: {  	s4 =	simm.s32 $0x1BF5;
	[smem:$0x3FB7] =	sst s0  }
0x18: {  	s0 =	sld [smem:$0x3F9A];
	_ =	swait.ge [sflag:s4], $0x0  }
0x19: {  	s7 =	sld [smem:$0x3F9B]  }
0x1a: {  	s8 =	sadd.s32 $0xFFFFE003, lr  }
0x1b: {  	s9 =	sadd.s32 $0xFFFFFEF7, lr;
	s5 =	simm.s32 $0xFFFFFFFF;
	p2 =	slt.u32 s8, $0xFFFFF086  }
0x1c: {  	p1 =	slt.u32 s9, $0xF7A;
	s5 =	simm.s32 @!p2 $0x0  }
0x1d: {  	s5 =	simm.s32 @p1 $0x1;
	p0 =	seq.s32 s7, s2  }
0x1e: {  	s7 =	smul.u32 @!p0 $0xF7A, s2;
	p2 =	seq.s32 @!p0 s5, $0x0  }
0x1f: {  	s9 =	smul.u32 $0xF7A, s1;
	s8 =	simm.s32 @!p0 $0x1BF5;
	p2 =	por !p2, p0  }
0x20: {  	[sflag:s8] =	ssyncset.s32 @!p0 $0xFFFFF086;
	s6 =	sadd.s32 @!p0 s3, s7;
	s7 =	simm.s32 @!p0 $0x108  }
0x21: {  	s3 =	sadd.s32 s3, s9;
	s6 =	sadd.s32 @!p0 $0x88, s6;
	s7 =	simm.s32 @p2 $0x1082  }
0x22: {  	[simem:s7], [sflag:s8] =	dma.local @!p0 [hbm:s6], $0xF7A  }
0x23: {  	s9 =	sor.u32 $0xD0000000, s2;
	s6 =	simm.s32 $0x108;
	_ =	swait.ge @!p0 [sflag:s8], $0x0  }
0x24: {  	s3 =	sadd.s32 $0x88, s3;
	s6 =	simm.s32 @!p1 $0x1082;
	[sflag:s4] =	ssyncset.s32 $0xFFFFF086  }
0x25: {  	[simem:s6], [sflag:s4] =	dma.local [hbm:s3], $0xF7A  }
0x26: {  	[smem:$0x3F9B] =	sst s1;
	(tag) =	ssettag s2;
	_ =	strace s9  }
0x27: {  	s1 =	sld [smem:$0x3FAB]  }
0x28: {  	s2 =	sld [smem:$0x3FAC]  }
0x29: {  	s4 =	sld [smem:$0x3FAE]  }
0x2a: {  	p0 =	seq.s32 s5, $0x0;
	s5 =	sld [smem:$0x3FAF]  }
0x2b: {  	s6 =	sld [smem:$0x3FB0]  }
0x2c: {  	s7 =	sld [smem:$0x3FB1]  }
0x2d: {  	s3 =	simm.s32 $0x108;
	s8 =	sld [smem:$0x3FB2]  }
0x2e: {  	s3 =	simm.s32 @!p0 $0x1082;
	s9 =	sld [smem:$0x3FB3]  }
0x2f: {  	lr =	sadd.s32 s0, s3;
	s0 =	sld [smem:$0x3FAA]  }
0x30: {  	s3 =	sld [smem:$0x3FAD]  }
0x31: {  	[smem:$0x3FB6] =	sst s10  }
0x32: {  	s10 =	sld [smem:$0x3FB4];
	_ =	sdelay $0x3  }
0x33: {  	p0 =	seq.s32 s10, $0x1;
	s10 =	sld [smem:$0x3FB6];
	_ =	sdelay $0x3  }
0x34: {  	[smem:$0x3FB6] =	sst s10  }
0x35: {  	s10 =	sld [smem:$0x3FB5];
	_ =	sdelay $0x3  }
0x36: {  	p1 =	seq.s32 s10, $0x1;
	s10 =	sld [smem:$0x3FB6];
	_ =	sdelay $0x3  }
0x37: {  	[smem:$0x3FB6] =	sst s10  }
0x38: {  	s10 =	sld [smem:$0x3FB7]  }
0x39: {  	_ = 	snop;
	(pc) =	sbr.ind lr, $3  }
0x3a: {  	_ = 	snop  }
0x3b: {  	_ = 	snop  }
0x3c: {  	p2 =	seq.s32 s10, $0x1;
	s10 =	sld [smem:$0x3FB6]  }
0x3d: {  	_ =	shalt  }
0x3e: {  	_ =	shalt  }
0x3f: {  	_ =	shalt  }
0x40: {  	_ =	shalt  }
0x41: {  	_ =	shalt  }
0x42: {  	_ =	shalt  }
0x43: {  	_ =	shalt  }
0x44: {  	_ =	shalt  }
0x45: {  	_ =	shalt  }
0x46: {  	_ =	shalt  }
0x47: {  	_ =	shalt  }
0x48: {  	_ =	shalt  }
0x49: {  	_ =	shalt  }
0x4a: {  	_ =	shalt  }
0x4b: {  	_ =	shalt  }
0x4c: {  	_ =	shalt  }
0x4d: {  	_ =	shalt  }
0x4e: {  	_ =	shalt  }
0x4f: {  	_ =	shalt  }
0x50: {  	_ =	shalt  }
0x51: {  	_ =	shalt  }
0x52: {  	_ =	shalt  }
0x53: {  	_ =	shalt  }
0x54: {  	_ =	shalt  }
0x55: {  	_ =	shalt  }
0x56: {  	_ =	shalt  }
0x57: {  	_ =	shalt  }
0x58: {  	_ =	shalt  }
0x59: {  	_ =	shalt  }
0x5a: {  	_ =	shalt  }
0x5b: {  	_ =	shalt  }
0x5c: {  	_ =	shalt  }
0x5d: {  	_ =	shalt  }
0x5e: {  	_ =	shalt  }
0x5f: {  	_ =	shalt  }
0x60: {  	_ =	shalt  }
0x61: {  	_ =	shalt  }
0x62: {  	_ =	shalt  }
0x63: {  	_ =	shalt  }
0x64: {  	_ =	shalt  }
0x65: {  	_ =	shalt  }
0x66: {  	_ =	shalt  }
0x67: {  	_ =	shalt  }
0x68: {  	_ =	shalt  }
0x69: {  	_ =	shalt  }
0x6a: {  	_ =	shalt  }
0x6b: {  	_ =	shalt  }
0x6c: {  	_ =	shalt  }
0x6d: {  	_ =	shalt  }
0x6e: {  	_ =	shalt  }
0x6f: {  	_ =	shalt  }
0x70: {  	_ =	shalt  }
0x71: {  	_ =	shalt  }
0x72: {  	_ =	shalt  }
0x73: {  	_ =	shalt  }
0x74: {  	_ =	shalt  }
0x75: {  	_ =	shalt  }
0x76: {  	_ =	shalt  }
0x77: {  	_ =	shalt  }
0x78: {  	_ =	shalt  }
0x79: {  	_ =	shalt  }
0x7a: {  	_ =	shalt  }
0x7b: {  	_ =	shalt  }
0x7c: {  	_ =	shalt  }
0x7d: {  	_ =	shalt  }
0x7e: {  	_ =	shalt  }
0x7f: {  	_ =	shalt  }
0x80: {  	_ =	shalt  }
0x81: {  	_ =	shalt  }
0x82: {  	_ =	shalt  }
0x83: {  	_ =	shalt  }
0x84: {  	_ =	shalt  }
0x85: {  	_ =	shalt  }
0x86: {  	_ =	shalt  }
0x87: {  	_ =	shalt  }
.Lfunc_end0:
.L_simem_size_0:
called_computation_lowered:
.L_overlay_start_0:
0x88: {  	s2 =	sld [smem:$0x3FD9]  }
0x89: {  	s3 =	sld [smem:$0x3FFE];
	_ =	sdelay $0x1  }
0x8a: {  	s1 =	srdreg.scid  }
0x8b: {  	s0 =	sand.u32 $0x1, s1  }
0x8c: {  	s17 =	sshll.u32 s0, $0xA;
	s2 =	sadd.s32 s3, s2  }
0x8d: {  	s2 =	sadd.s32 s2, s17  }
0x8e: {  	[smem:$0x3FC2] =	sst s2  }
0x8f: {  	_ = 	snop  }
0x90: {  	s2 =	sld [smem:$0x3FD0];
	(tm) =	ssettm $0x1  }
0x91: {  	s18 =	sld [smem:$0x3FFB];
	_ =	sdelay $0x3  }
0x92: {  	_ =	strace s18  }
0x93: {  	s3 =	sld [smem:$0x3FFC];
	_ =	sdelay $0x3  }
0x94: {  	_ =	strace s3  }
0x95: {  	s3 =	sld [smem:$0x3FFD];
	_ =	sdelay $0x3  }
0x96: {  	_ =	strace s3  }
0x97: {  	_ =	strace $0x8FFFFFFF  }
0x98: {  	s19 =	sld [smem:$0x3FDB];
	_ =	sdelay $0x1  }
0x99: {  	s4 =	simm.s32 $_scs_section_size  }
0x9a: {  	s5 =	simm.s32 $_size__tile_overlayer_lowered;
	s6 =	simm.s32 $_tile_overlayer_lowered  }
0x9b: {  	s22 =	simm.s32 $0x1BFF;
	s21 =	sshll.u32 s6, $0x1;
	s3 =	sadd.s32 s4, s19  }
0x9c: {  	s7 =	simm.s32 $0x0;
	s20 =	sshll.u32 s5, $0x1;
	s5 =	sadd.s32 s21, s3  }
0x9d: {  	[timem:s7], [sflag:s22] =	dma.local [hbm:s5], s20  }
0x9e: {  	_ =	swait.ge [sflag:s22], s20  }
0x9f: {  	s4 =	ssub.s32 $0x0, s20;
	[sflag:s22] =	ssyncset.done $0x0  }
0xa0: {  	[sflag:s22] =	ssyncadd.s32 s4;
	_ =	sdelay $0x1  }
0xa1: {  	s23 =	simm.s32 $0x1B8B  }
0xa2: {  	_ =	swait.ge [sflag:s23], $0x1  }
0xa3: {  	[sflag:s23] =	ssyncset.done $0x0  }
0xa4: {  	s25 =	simm.s32 $0x1B8E;
	s24 =	sld [smem:$0x3FFE];
	[sflag:s23] =	ssyncadd.s32 $0xFFFFFFFF  }
0xa5: {  	s26 =	simm.s32 $execute0_lowered;
	[smem:$0x3FD2] =	sst s25  }
0xa6: {  	s5 =	sshll.u32 s26, $0x1;
	_ =	strace $0x80000046;
	[dreg:$0x1] =	wrdreg $0xFFFFFFFF  }
0xa7: {  	s28 =	simm.s32 $_size_execute0_lowered;
	s3 =	sadd.s32 s3, s5;
	[dreg:$0x0] =	wrdreg $0x0  }
0xa8: {  	s5 =	sshll.u32 s28, $0x1;
	[dreg:$0x2] =	wrdreg s3  }
0xa9: {  	[dreg:$0x3] =	wrdreg s5  }
0xaa: {  	[dreg:$0x4] =	wrdreg $0xC0  }
0xab: {  	_ =	task [dreg:s7], $0x5FFFF  }
0xac: {  	[dreg:$0x1] =	wrdreg $0xFFFFFFFF  }
0xad: {  	[dreg:$0x0] =	wrdreg $0x60  }
0xae: {  	[dreg:$0x2] =	wrdreg s24  }
0xaf: {  	[dreg:$0x3] =	wrdreg s2  }
0xb0: {  	[dreg:$0x4] =	wrdreg $0x50800  }
0xb1: {  	[dreg:$0x5] =	wrdreg $0x53000  }
0xb2: {  	[dreg:$0x6] =	wrdreg $0x9  }
0xb3: {  	_ =	task.clear_ibuf [dreg:s7], $0x7FFFF;
	_ =	strace $0x90000046  }
0xb4: {  	s29 =	simm.s32 $0x9;
	_ =	strace $0x80000048  }
0xb5: {  	_ =	swait.ge [sflag:s29], $0x1  }
0xb6: {  	[sflag:s29] =	ssyncadd.s32 $0xFFFFFFFF  }
0xb7: {  	_ =	strace $0x90000048  }
0xb8: {  	_ =	sfence  }
0xb9: {  	s30 =	sld [smem:$0x0];
	_ =	sdelay $0x2  }
0xba: {  	s31 =	sshll.u32 s1, $0xD;
	s1 =	sshrl.u32 s1, $0x2  }
0xbb: {  	s3 =	sand.u32 $0x4000, s31;
	s1 =	sadd.s32 s1, s30  }
0xbc: {  	s0 =	sor.u32 s3, s0;
	s1 =	sshll.u32 s1, $0x11  }
0xbd: {  	s0 =	sor.u32 s1, s0  }
0xbe: {  	s0 =	sadd.s32 $0x8F2B, s0  }
0xbf: {  	[sflag:s0] =	ssyncadd.remote.s32 $0x1  }
0xc0: {  	_ =	sfence.sel $0xFFFF  }
0xc1: {  	[dreg:$0x0] =	wrdreg $0xFFFFFFFF;
	(pc) =	sbr.abs _section_cstart, $3  }
0xc2: {  	[dreg:$0x1] =	wrdreg $0xFFFFFFFF  }
0xc3: {  	_ =	task.clear_ibuf [dreg:s7], $0x2FFFF;
	_ =	strace $0x9FFFFFFF  }
0xc4: {  	(tm) =	ssettm $0x7FFFFFFF  }
0xc5: {  	_ =	shalt  }
tec
execute0_lowered:
.L_overlay_start_1:
0x0: {  	(tag) =	ssettag $0x1  }
0x1: {  	s6 =	rddreg [dreg:$0x0]  }
0x2: {  	s9 =	rddreg [dreg:$0x1]  }
0x3: {  	s1 =	srdreg.scid;
	s2 =	rddreg [dreg:$0x2]  }
0x4: {  	s0 =	stileid.u32;
	s3 =	rddreg [dreg:$0x3]  }
0x5: {  	s4 =	simm.s32 $0x0;
	s14 =	simm.s32 $0x2800;
	s18 =	simm.s32 $0x7D  }
0x6: {  	s19 =	simm.s32 $0x1;
	s20 =	simm.s32 $0x5;
	s21 =	simm.s32 $0x2  }
0x7: {  	s22 =	simm.s32 $0x6;
	s23 =	simm.s32 $0x3;
	s24 =	simm.s32 $0x7  }
0x8: {  	s25 =	simm.s32 $0x4;
	s26 =	simm.s32 $0x8;
	s28 =	simm.s32 $0x0  }
0x9: {  	s5 =	sand.u32 $0x1, s1;
	s30 =	sshll.u32 s0, $0x1;
	s10 =	smul.u32 $0x280, s0  }
0xa: {  	[smem:$0x7FF] =	sst s4;
	s15 =	sshll.u32 s0, $0x6;
	s1 =	sor.u32 s5, s30  }
0xb: {  	s8 =	smul.u32 $0x5000, s5;
	_ =	strace $0x80000047;
	s31 =	ssub.s32 $0x2, s5  }
0xc: {  	s5 =	sadd.s32 $0x16200, s6;
	s15 =	sor.u32 $0x1C09, s15;
	s7 =	smul.u32 $0x2800, s1  }
0xd: {  	s12 =	sshrl.u32 s31, $0x1;
	s16 =	sadd.s32 s10, s2;
	s17 =	sadd.s32 s10, s3  }
0xe: {  	s8 =	sadd.s32 s10, s8;
	s12 =	ssub.s32 s31, s12;
	s16 =	sshrl.u32 s16, $0x3  }
0xf: {  	s17 =	sshrl.u32 s17, $0x3;
	s7 =	sshrl.u32 s7, $0x3;
	s13 =	sshrl.u32 s8, $0x3  }
0x10: {  	s11 =	sadd.s32 s7, s6;
	s6 =	sadd.s32 $0x16000, s6;
	s9 =	sadd.s32 s9, s13  }
0x11: {  	s13 =	simm.s32 $0x9;
	s7 =	sadd.s32 $0x2000, s11;
	s8 =	sadd.s32 $0xC000, s11  }
0x12: {  	s10 =	sadd.s32 $0x500, s9;
	s11 =	smax.u32 s12, $0x1;
	s12 =	simm.s32 $0x5000  }
.LBB2_1:
0x13: {  	[tilespmem:s12], [sflag:$0x9] =	stream.linear.gather [hbm4b:s5+s4], $0x80, $0x38;
	[tilespmem:$0x5580] =	vst v63  }
0x14: {  	_ =	swait.ge [sflag:s13], $0x80  }
0x15: {  	[sflag:s13] =	ssyncset.done $0x0  }
0x16: {  	[sflag:s13] =	ssyncadd.s32 $0xFFFFFF80  }
0x17: {  	[tilespmem:s4], [sflag:$0x9] =	stream.linear.gather [hbm4b:s7+s4], $0x2800, $0x38;
	[tilespmem:$0x5580] =	vst v63  }
0x18: {  	_ =	swait.ge [sflag:s13], $0x2800  }
0x19: {  	[sflag:s13] =	ssyncset.done $0x0  }
0x1a: {  	[sflag:s13] =	ssyncadd.s32 $0xFFFFD800  }
0x1b: {  	[tilespmem:s14], [sflag:$0x9] =	stream.linear.gather [hbm4b:s8+s4], $0x2800, $0x38;
	[tilespmem:$0x5580] =	vst v63  }
0x1c: {  	_ =	swait.ge [sflag:s13], $0x2800  }
0x1d: {  	[sflag:s13] =	ssyncset.done $0x0  }
0x1e: {  	[sflag:s13] =	ssyncadd.s32 $0xFFFFD800  }
0x1f: {  	[spmem:s16], [sflag:s15] =	dma.local [hbm:s6], $0x50  }
0x20: {  	_ =	swait.ge [sflag:s13], $0x50  }
0x21: {  	[sflag:s13] =	ssyncset.done $0x0  }
0x22: {  	[sflag:s13] =	ssyncadd.s32 $0xFFFFFFB0  }
0x23: {  	[spmem:s17], [sflag:s15] =	dma.local [hbm:s6], $0x50  }
0x24: {  	_ =	swait.ge [sflag:s13], $0x50  }
0x25: {  	[sflag:s13] =	ssyncset.done $0x0  }
0x26: {  	[sflag:s13] =	ssyncadd.s32 $0xFFFFFFB0  }
0x27: {  	s29 =	simm.s32 $0x0;
	[bflag:$0x0] =	sbarrier.arrive $0xFFFF  }
0x28: {  	[spmem:s2] =	stream.indirect.scatter.add.f32 [tilespmem:s12], [sflag:$0x1], $0x1, s29, s18, $0xb8;
	[tilespmem:$0x5580] =	vst v63  }
0x29: {  	s29 =	simm.s32 $0x2800  }
0x2a: {  	[spmem:s3] =	stream.indirect.scatter.add.f32 [tilespmem:s12], [sflag:$0x5], $0x1, s29, s18, $0xb8;
	[tilespmem:$0x5580] =	vst v63  }
0x2b: {  	s29 =	simm.s32 $0x80  }
0x2c: {  	[spmem:s2] =	stream.indirect.scatter.add.f32 [tilespmem:s12], [sflag:$0x2], $0x1, s29, s18, $0xb8;
	[tilespmem:$0x5580] =	vst v63  }
0x2d: {  	s29 =	simm.s32 $0x2880  }
0x2e: {  	[spmem:s3] =	stream.indirect.scatter.add.f32 [tilespmem:s12], [sflag:$0x6], $0x1, s29, s18, $0xb8;
	[tilespmem:$0x5580] =	vst v63  }
0x2f: {  	s29 =	simm.s32 $0x100  }
0x30: {  	[spmem:s2] =	stream.indirect.scatter.add.f32 [tilespmem:s12], [sflag:$0x3], $0x1, s29, s18, $0xb8;
	[tilespmem:$0x5580] =	vst v63  }
0x31: {  	s29 =	simm.s32 $0x2900  }
0x32: {  	[spmem:s3] =	stream.indirect.scatter.add.f32 [tilespmem:s12], [sflag:$0x7], $0x1, s29, s18, $0xb8;
	[tilespmem:$0x5580] =	vst v63  }
0x33: {  	s29 =	simm.s32 $0x180  }
0x34: {  	[spmem:s2] =	stream.indirect.scatter.add.f32 [tilespmem:s12], [sflag:$0x4], $0x1, s29, s18, $0xb8;
	[tilespmem:$0x5580] =	vst v63  }
0x35: {  	s29 =	simm.s32 $0x2980  }
0x36: {  	[spmem:s3] =	stream.indirect.scatter.add.f32 [tilespmem:s12], [sflag:$0x8], $0x1, s29, s18, $0xb8;
	[tilespmem:$0x5580] =	vst v63  }
0x37: {  	_ =	swait.ge [sflag:s19], $0x7D  }
0x38: {  	[sflag:s19] =	ssyncset.done $0x0  }
0x39: {  	[sflag:s19] =	ssyncadd.s32 $0xFFFFFF83  }
0x3a: {  	_ =	swait.ge [sflag:s20], $0x7D  }
0x3b: {  	[sflag:s20] =	ssyncset.done $0x0  }
0x3c: {  	[sflag:s20] =	ssyncadd.s32 $0xFFFFFF83  }
0x3d: {  	_ =	swait.ge [sflag:s21], $0x7D  }
0x3e: {  	[sflag:s21] =	ssyncset.done $0x0  }
0x3f: {  	[sflag:s21] =	ssyncadd.s32 $0xFFFFFF83  }
0x40: {  	_ =	swait.ge [sflag:s22], $0x7D  }
0x41: {  	[sflag:s22] =	ssyncset.done $0x0  }
0x42: {  	[sflag:s22] =	ssyncadd.s32 $0xFFFFFF83  }
0x43: {  	_ =	swait.ge [sflag:s23], $0x7D  }
0x44: {  	[sflag:s23] =	ssyncset.done $0x0  }
0x45: {  	[sflag:s23] =	ssyncadd.s32 $0xFFFFFF83  }
0x46: {  	_ =	swait.ge [sflag:s24], $0x7D  }
0x47: {  	[sflag:s24] =	ssyncset.done $0x0  }
0x48: {  	[sflag:s24] =	ssyncadd.s32 $0xFFFFFF83  }
0x49: {  	_ =	swait.ge [sflag:s25], $0x7D  }
0x4a: {  	[sflag:s25] =	ssyncset.done $0x0  }
0x4b: {  	[sflag:s25] =	ssyncadd.s32 $0xFFFFFF83  }
0x4c: {  	_ =	swait.ge [sflag:s26], $0x7D  }
0x4d: {  	s31 =	simm.s32 $0x1000;
	s29 =	simm.s32 $0x800;
	[sflag:s26] =	ssyncset.done $0x0  }
.LBB2_2:
0x4e: {  	s1 =	sshra.s32 s29, $0x2  }
0x4f: {  	[sflag:s26] =	ssyncadd.s32 $0xFFFFFF83;
	s29 =	smov.u32 s31;
	s30 =	sadd.s32 $0x800, s31  }
0x50: {  	[spmem:s2] =	stream.indirect.scatter.add.f32 [tilespmem:s12], [sflag:$0x1], $0x1, s1, s18, $0xb8;
	[tilespmem:$0x5580] =	vst v63  }
0x51: {  	p0 =	sne.s32 s31, $0x9800;
	s31 =	sadd.s32 $0x2800, s1  }
0x52: {  	[spmem:s3] =	stream.indirect.scatter.add.f32 [tilespmem:s12], [sflag:$0x5], $0x1, s31, s18, $0xb8;
	[tilespmem:$0x5580] =	vst v63  }
0x53: {  	s31 =	sadd.s32 $0x80, s1  }
0x54: {  	[spmem:s2] =	stream.indirect.scatter.add.f32 [tilespmem:s12], [sflag:$0x2], $0x1, s31, s18, $0xb8;
	[tilespmem:$0x5580] =	vst v63  }
0x55: {  	s31 =	sadd.s32 $0x2880, s1  }
0x56: {  	[spmem:s3] =	stream.indirect.scatter.add.f32 [tilespmem:s12], [sflag:$0x6], $0x1, s31, s18, $0xb8;
	[tilespmem:$0x5580] =	vst v63  }
0x57: {  	s31 =	sadd.s32 $0x100, s1  }
0x58: {  	[spmem:s2] =	stream.indirect.scatter.add.f32 [tilespmem:s12], [sflag:$0x3], $0x1, s31, s18, $0xb8;
	[tilespmem:$0x5580] =	vst v63  }
0x59: {  	s31 =	sadd.s32 $0x2900, s1  }
0x5a: {  	[spmem:s3] =	stream.indirect.scatter.add.f32 [tilespmem:s12], [sflag:$0x7], $0x1, s31, s18, $0xb8;
	[tilespmem:$0x5580] =	vst v63  }
0x5b: {  	s31 =	sadd.s32 $0x180, s1  }
0x5c: {  	[spmem:s2] =	stream.indirect.scatter.add.f32 [tilespmem:s12], [sflag:$0x4], $0x1, s31, s18, $0xb8;
	[tilespmem:$0x5580] =	vst v63  }
0x5d: {  	s1 =	sadd.s32 $0x2980, s1  }
0x5e: {  	[spmem:s3] =	stream.indirect.scatter.add.f32 [tilespmem:s12], [sflag:$0x8], $0x1, s1, s18, $0xb8;
	[tilespmem:$0x5580] =	vst v63  }
0x5f: {  	_ =	swait.ge [sflag:s19], $0x7D  }
0x60: {  	[sflag:s19] =	ssyncset.done $0x0  }
0x61: {  	[sflag:s19] =	ssyncadd.s32 $0xFFFFFF83  }
0x62: {  	_ =	swait.ge [sflag:s20], $0x7D  }
0x63: {  	[sflag:s20] =	ssyncset.done $0x0  }
0x64: {  	[sflag:s20] =	ssyncadd.s32 $0xFFFFFF83  }
0x65: {  	_ =	swait.ge [sflag:s21], $0x7D  }
0x66: {  	[sflag:s21] =	ssyncset.done $0x0  }
0x67: {  	[sflag:s21] =	ssyncadd.s32 $0xFFFFFF83  }
0x68: {  	_ =	swait.ge [sflag:s22], $0x7D  }
0x69: {  	[sflag:s22] =	ssyncset.done $0x0  }
0x6a: {  	[sflag:s22] =	ssyncadd.s32 $0xFFFFFF83  }
0x6b: {  	_ =	swait.ge [sflag:s23], $0x7D  }
0x6c: {  	[sflag:s23] =	ssyncset.done $0x0  }
0x6d: {  	[sflag:s23] =	ssyncadd.s32 $0xFFFFFF83  }
0x6e: {  	_ =	swait.ge [sflag:s24], $0x7D  }
0x6f: {  	[sflag:s24] =	ssyncset.done $0x0  }
0x70: {  	[sflag:s24] =	ssyncadd.s32 $0xFFFFFF83  }
.Ltmp0:
0x71: {  	_ =	swait.ge [sflag:s25], $0x7D;
	(pc) =	sbr.rel @p0 .LBB2_2-.Ltmp0, $4  }
0x72: {  	[sflag:s25] =	ssyncset.done $0x0  }
0x73: {  	[sflag:s25] =	ssyncadd.s32 $0xFFFFFF83  }
0x74: {  	_ =	swait.ge [sflag:s26], $0x7D  }
0x75: {  	s31 =	smov.u32 s30;
	[sflag:s26] =	ssyncset.done $0x0  }
0x76: {  	s1 =	sshra.s32 s29, $0x2;
	[sflag:s26] =	ssyncadd.s32 $0xFFFFFF83  }
0x77: {  	[spmem:s2] =	stream.indirect.scatter.add.f32 [tilespmem:s12], [sflag:$0x1], $0x1, s1, s18, $0xb8;
	[tilespmem:$0x5580] =	vst v63  }
0x78: {  	s29 =	sadd.s32 $0x2800, s1  }
0x79: {  	[spmem:s3] =	stream.indirect.scatter.add.f32 [tilespmem:s12], [sflag:$0x5], $0x1, s29, s18, $0xb8;
	[tilespmem:$0x5580] =	vst v63  }
0x7a: {  	s31 =	sadd.s32 $0x80, s1  }
0x7b: {  	[spmem:s2] =	stream.indirect.scatter.add.f32 [tilespmem:s12], [sflag:$0x2], $0x1, s31, s18, $0xb8;
	[tilespmem:$0x5580] =	vst v63  }
0x7c: {  	s30 =	sadd.s32 $0x2880, s1  }
0x7d: {  	[spmem:s3] =	stream.indirect.scatter.add.f32 [tilespmem:s12], [sflag:$0x6], $0x1, s30, s18, $0xb8;
	[tilespmem:$0x5580] =	vst v63  }
0x7e: {  	s31 =	sadd.s32 $0x100, s1  }
0x7f: {  	[spmem:s2] =	stream.indirect.scatter.add.f32 [tilespmem:s12], [sflag:$0x3], $0x1, s31, s18, $0xb8;
	[tilespmem:$0x5580] =	vst v63  }
0x80: {  	s30 =	sadd.s32 $0x2900, s1  }
0x81: {  	[spmem:s3] =	stream.indirect.scatter.add.f32 [tilespmem:s12], [sflag:$0x7], $0x1, s30, s18, $0xb8;
	[tilespmem:$0x5580] =	vst v63  }
0x82: {  	s31 =	sadd.s32 $0x180, s1  }
0x83: {  	[spmem:s2] =	stream.indirect.scatter.add.f32 [tilespmem:s12], [sflag:$0x4], $0x1, s31, s18, $0xb8;
	[tilespmem:$0x5580] =	vst v63  }
0x84: {  	s1 =	sadd.s32 $0x2980, s1  }
0x85: {  	[spmem:s3] =	stream.indirect.scatter.add.f32 [tilespmem:s12], [sflag:$0x8], $0x1, s1, s18, $0xb8;
	[tilespmem:$0x5580] =	vst v63  }
0x86: {  	_ =	swait.ge [sflag:s19], $0x7D  }
0x87: {  	[sflag:s19] =	ssyncset.done $0x0  }
0x88: {  	[sflag:s19] =	ssyncadd.s32 $0xFFFFFF83  }
0x89: {  	_ =	swait.ge [sflag:s20], $0x7D  }
0x8a: {  	[sflag:s20] =	ssyncset.done $0x0  }
0x8b: {  	[sflag:s20] =	ssyncadd.s32 $0xFFFFFF83  }
0x8c: {  	_ =	swait.ge [sflag:s21], $0x7D  }
0x8d: {  	[sflag:s21] =	ssyncset.done $0x0  }
0x8e: {  	[sflag:s21] =	ssyncadd.s32 $0xFFFFFF83  }
0x8f: {  	_ =	swait.ge [sflag:s22], $0x7D  }
0x90: {  	[sflag:s22] =	ssyncset.done $0x0  }
0x91: {  	[sflag:s22] =	ssyncadd.s32 $0xFFFFFF83  }
0x92: {  	_ =	swait.ge [sflag:s23], $0x7D  }
0x93: {  	[sflag:s23] =	ssyncset.done $0x0  }
0x94: {  	[sflag:s23] =	ssyncadd.s32 $0xFFFFFF83  }
0x95: {  	_ =	swait.ge [sflag:s24], $0x7D  }
0x96: {  	[sflag:s24] =	ssyncset.done $0x0  }
0x97: {  	[sflag:s24] =	ssyncadd.s32 $0xFFFFFF83  }
0x98: {  	_ =	swait.ge [sflag:s25], $0x7D  }
0x99: {  	[sflag:s25] =	ssyncset.done $0x0  }
0x9a: {  	[sflag:s25] =	ssyncadd.s32 $0xFFFFFF83  }
0x9b: {  	_ =	swait.ge [sflag:s26], $0x7D  }
0x9c: {  	[sflag:s26] =	ssyncset.done $0x0  }
0x9d: {  	[sflag:s26] =	ssyncadd.s32 $0xFFFFFF83  }
0x9e: {  	[bflag:$0x0] =	sbarrier.arrive $0xFFFF  }
0x9f: {  	[hbm:s9], [sflag:s15] =	dma.local [spmem:s16], $0x50  }
0xa0: {  	s28 =	sadd.s32 $0x1, s28;
	_ =	swait.ge [sflag:s13], $0x50  }
0xa1: {  	p0 =	sne.s32 s28, s11;
	[sflag:s13] =	ssyncset.done $0x0  }
.Ltmp1:
0xa2: {  	[sflag:s13] =	ssyncadd.s32 $0xFFFFFFB0;
	(pc) =	sbr.rel @p0 .LBB2_1-.Ltmp1, $4  }
0xa3: {  	[hbm:s10], [sflag:s15] =	dma.local [spmem:s17], $0x50  }
0xa4: {  	_ =	swait.ge [sflag:s13], $0x50  }
0xa5: {  	[sflag:s13] =	ssyncset.done $0x0  }
0xa6: {  	[sflag:s13] =	ssyncadd.s32 $0xFFFFFFB0  }
0xa7: {  	_ =	sfence.sel $0x180000  }
0xa8: {  	[bflag:$0x0] =	sbarrier.arrive $0xFFFF  }
0xa9: {  	_ =	strace $0x90000047  }
0xaa: {  	[bflag:$0x2] =	sbarrier.arrive $0xFFFF  }
0xab: {  	p0 =	sne.s32 s0, $0x0;
	s0 =	rddreg [dreg:$0x4]  }
0xac: {  	s0 =	sadd.s32 @!p0 $0x100000, s0  }
0xad: {  	[sflag:s0] =	ssyncadd.tile.s32 @!p0 $0x1;
	_ =	shalt  }
.Lfunc_end2:
_tile_overlayer_lowered:
.L_overlay_start_2:
0xae: {  	(tag) =	ssettag $0x2  }
0xaf: {  	s0 =	rddreg [dreg:$0x0];
	s2 =	stileid.u32  }
0xb0: {  	s1 =	rddreg [dreg:$0x1];
	p0 =	sne.s32 s2, $0x0  }
0xb1: {  	s3 =	rddreg [dreg:$0x2];
	[bflag:$0x3] =	sbarrier.arrive $0xFFFF;
	s2 =	simm.s32 @!p0 $0x1C09  }
0xb2: {  	[timem:s3], [sflag:s2] =	dma.local @!p0 [hbm:s0], s1  }
0xb3: {  	s0 =	simm.s32 @!p0 $0x9  }
0xb4: {  	_ =	swait.ge @!p0 [sflag:s0], s1  }
0xb5: {  	s1 =	ssub.s32 @!p0 $0x0, s1;
	[sflag:s0] =	ssyncset.done @!p0 $0x0  }
0xb6: {  	[sflag:s0] =	ssyncadd.s32 @!p0 s1  }
0xb7: {  	[bflag:$0x3] =	sbarrier.arrive $0xFFFF  }
0xb8: {  	_ =	shalt  }

</sc_bundles>
